<compile_context>
chip_gen: v7x
topology: tpu7x:2x2x1
jax: 0.10.2.dev20260603
libtpu: 0.0.44.dev20260713+nightly
codegen_flags: <defaults>
</compile_context>

<pallas_src>
import functools

import jax
import jax.numpy as jnp
from jax import lax
from jax.experimental import pallas as pl
from jax.experimental.pallas import tpu as pltpu
from jax.experimental.pallas import tpu_sc as plsc

REG_LAMBDA = 0.01
LANES = 128
N_CHUNKS = 2


def _gather_body(chunks, woff, h_i, p_i, n_i, r_i, etab, rtab,
                 h_o, p_o, n_o, r_o, idx_v, rows_v, rel_sp,
                 gsem, osem0, osem1, ssem):
    info = plsc.get_sparse_core_info()
    nc = info.num_cores
    sid = lax.axis_index("s")
    wid = sid * nc + lax.axis_index("c")
    osems = (osem0, osem1)
    state = {"si": 0, "pending": [None, None]}

    @pl.when(sid == 0)
    def _():
        pltpu.async_copy(rtab, rel_sp, ssem)

    rows_per_w = chunks * LANES

    for i, idx_hbm in enumerate((h_i, p_i, n_i, r_i)):
        pltpu.sync_copy(idx_hbm.at[woff + wid],
                        idx_v.at[pl.ds(i * chunks, chunks)])

    n_stages = 4

    def fire(s, buf):
        tab = (etab, etab, etab, rel_sp)[s]
        return [pltpu.async_copy(tab.at[idx_v.at[s * chunks + j]],
                                 rows_v.at[buf, pl.ds(j * LANES, LANES)],
                                 gsem)
                for j in range(chunks)]

    outs = (h_o, p_o, n_o, r_o)
    gath = fire(0, 0)
    for s in range(n_stages):
        buf = s % 2
        for g in gath:
            g.wait()
        if s < n_stages - 1:
            if s == n_stages - 2:
                @pl.when(sid == 0)
                def _():
                    pltpu.make_async_copy(rtab, rel_sp, ssem).wait()
                plsc.subcore_barrier()
            if state["pending"][1 - buf] is not None:
                state["pending"][1 - buf].wait()
                state["pending"][1 - buf] = None
            gath = fire(s + 1, 1 - buf)
        if state["pending"][buf] is not None:
            state["pending"][buf].wait()
        state["pending"][buf] = pltpu.async_copy(
            rows_v.at[buf],
            outs[s].at[pl.ds(wid * rows_per_w, rows_per_w)],
            osems[buf])
    for p in state["pending"]:
        if p is not None:
            p.wait()


def _sc_gather(cidx, h_i, p_i, n_i, r_i, entity_table, relation_table):
    nrows, chunks, _ = h_i.shape
    nw = nrows // N_CHUNKS
    bc = nw * chunks * LANES
    d = entity_table.shape[1]
    mesh = plsc.VectorSubcoreMesh(core_axis_name="c", subcore_axis_name="s")
    row_t = jax.ShapeDtypeStruct((bc, d), jnp.float32)
    kern = functools.partial(
        pl.kernel,
        mesh=mesh,
        out_type=[row_t, row_t, row_t, row_t],
        scratch_types=[
            pltpu.VMEM((4 * chunks, LANES), jnp.int32),
            pltpu.VMEM((2, chunks * LANES, d), jnp.float32),
            pltpu.VMEM_SHARED(relation_table.shape, jnp.float32),
            pltpu.SemaphoreType.DMA,
            pltpu.SemaphoreType.DMA,
            pltpu.SemaphoreType.DMA,
            pltpu.SemaphoreType.DMA,
        ],
    )(functools.partial(_gather_body, chunks, cidx * nw))
    return kern(h_i, p_i, n_i, r_i, entity_table, relation_table)


def _loss_body(nb, gh, gp, gn, gr, w_ref, out_ref, acc_ref):
    i = pl.program_id(0)

    @pl.when(i == 0)
    def _():
        acc_ref[0] = 0.0
        acc_ref[1] = 0.0

    w = w_ref[...]
    he = jnp.abs(jnp.dot(gh[...], w, preferred_element_type=jnp.float32))
    pe = jnp.abs(jnp.dot(gp[...], w, preferred_element_type=jnp.float32))
    ne = jnp.abs(jnp.dot(gn[...], w, preferred_element_type=jnp.float32))
    re = jnp.abs(gr[...])

    base = he + re
    dpos = base - pe
    dneg = base - ne
    pos_s = 0.5 * jnp.sum(dpos * dpos, axis=1, keepdims=True)
    neg_s = 0.5 * jnp.sum(dneg * dneg, axis=1, keepdims=True)
    x = neg_s - pos_s
    logsig = jnp.minimum(x, 0.0) - jnp.log1p(jnp.exp(-jnp.abs(x)))
    sq = (jnp.sum(he * he) + jnp.sum(re * re)
          + jnp.sum(pe * pe) + jnp.sum(ne * ne))
    acc_ref[0] += jnp.sum(logsig)
    acc_ref[1] += sq

    @pl.when(i == nb - 1)
    def _():
        out_ref[0, 0] = acc_ref[0]
        out_ref[0, 1] = acc_ref[1]


def _tc_partial(gh, gp, gn, gr, W):
    bc, d = gh.shape
    bsz = 2048
    nb = bc // bsz
    spec = pl.BlockSpec((bsz, d), lambda i: (i, 0))
    return pl.pallas_call(
        functools.partial(_loss_body, nb),
        grid=(nb,),
        in_specs=[spec, spec, spec, spec,
                  pl.BlockSpec((d, d), lambda i: (0, 0))],
        out_specs=pl.BlockSpec(memory_space=pltpu.SMEM),
        out_shape=jax.ShapeDtypeStruct((1, 2), jnp.float32),
        scratch_shapes=[pltpu.SMEM((2,), jnp.float32)],
    )(gh, gp, gn, gr, W)


def kernel(h, r, pos_t, neg_t, entity_table, relation_table, W):
    b = h.shape[0]
    info = plsc.get_sparse_core_info()
    nw = info.num_cores * info.num_subcores
    bc = b // N_CHUNKS
    chunks = bc // (nw * LANES)

    def shape_idx(x):
        return x.reshape(N_CHUNKS * nw, chunks, LANES).astype(jnp.int32)

    hi, ri, pi, ni = (shape_idx(x) for x in (h, r, pos_t, neg_t))

    partials = []
    for c in range(N_CHUNKS):
        rows = _sc_gather(c, hi, pi, ni, ri, entity_table, relation_table)
        partials.append(_tc_partial(*rows, W))
    acc = partials[0]
    for p in partials[1:]:
        acc = acc + p
    b_total = jnp.float32(b)
    return (-acc[0, 0] / b_total
            + REG_LAMBDA * acc[0, 1] / (2.0 * b_total))

# --- scband reference (transcript-rebuilt; emitter-appended) ---
"""Pipeline reference for scband-kgemodel-84086869721225 (READ-ONLY COPY).

The authoritative reference and input builder live on the scoring server;
editing this copy changes nothing except your own understanding.
"""

import jax, jax.numpy as jnp
import numpy as np

N_ENT = 100000
N_REL = 1000
ENT_DIM = 128
REL_DIM = 128
REG_LAMBDA = 0.01
B = 16384


def setup_inputs(seed: int = 0) -> dict:
    key = jax.random.key(seed)
    ks = jax.random.split(key, 7)
    h = jax.random.randint(ks[0], (B, 1), 0, N_ENT)
    r = jax.random.randint(ks[1], (B, 1), 0, N_REL)
    pos_t = jax.random.randint(ks[2], (B, 1), 0, N_ENT)
    neg_t = jax.random.randint(ks[3], (B, 1), 0, N_ENT)
    entity_table = jax.random.normal(ks[4], (N_ENT, ENT_DIM), dtype=jnp.float32) * 0.02
    relation_table = jax.random.normal(ks[5], (N_REL, REL_DIM), dtype=jnp.float32) * 0.02
    W = jax.random.normal(ks[6], (ENT_DIM, REL_DIM), dtype=jnp.float32) * 0.02
    return {"h": h, "r": r, "pos_t": pos_t, "neg_t": neg_t,
            "entity_table": entity_table, "relation_table": relation_table, "W": W}


def _l2_norm(x):
    # th.sum(th.pow(x, 2), dim=1) / 2.0
    return jnp.sum(x ** 2, axis=1) / 2.0


def _l2_norm_mean(x):
    return jnp.mean(_l2_norm(x))


def _cal_score(pos_score, neg_score):
    # -mean(log(sigmoid(neg - pos)))
    return -1.0 * jnp.mean(jax.nn.log_sigmoid(neg_score - pos_score))


def reference(h, r, pos_t, neg_t, entity_table, relation_table, W):
    # entity_embed(h): gather [B,1,ENT_DIM]; W_entity: linear (no bias) -> [B,1,REL_DIM]
    # th.norm(..., p='fro', dim=1) over the length-1 axis -> [B, REL_DIM]
    h_embed = jnp.linalg.norm(jnp.take(entity_table, h, axis=0) @ W, axis=1)
    r_embed = jnp.linalg.norm(jnp.take(relation_table, r, axis=0), axis=1)
    pos_t_embed = jnp.linalg.norm(jnp.take(entity_table, pos_t, axis=0) @ W, axis=1)
    neg_t_embed = jnp.linalg.norm(jnp.take(entity_table, neg_t, axis=0) @ W, axis=1)

    pos_kg_score = _l2_norm(h_embed + r_embed - pos_t_embed)
    neg_kg_score = _l2_norm(h_embed + r_embed - neg_t_embed)
    kg_loss = _cal_score(pos_kg_score, neg_kg_score)
    kg_reg_loss = (_l2_norm_mean(h_embed) + _l2_norm_mean(r_embed)
                   + _l2_norm_mean(pos_t_embed) + _l2_norm_mean(neg_t_embed))
    loss = kg_loss + REG_LAMBDA * kg_reg_loss
    return loss

if __name__ == "__main__":
    import jax
    _d = setup_inputs()
    print(jax.jit(kernel)(*tuple(_d.values())))

</pallas_src>

<mosaic_0001>
#map = affine_map<(d0, d1) -> (0, 0, 0)>
#map1 = affine_map<(d0, d1) -> (0, 0)>
module attributes {stable_mosaic.version = 14 : i64} {
  func.func @_gather_body(%arg0: i32, %arg1: i32, %arg2: memref<64x2x128xi32, #tpu.memory_space<hbm>>, %arg3: memref<64x2x128xi32, #tpu.memory_space<hbm>>, %arg4: memref<64x2x128xi32, #tpu.memory_space<hbm>>, %arg5: memref<64x2x128xi32, #tpu.memory_space<hbm>>, %arg6: memref<100000x128xf32, #tpu.memory_space<hbm>>, %arg7: memref<1000x128xf32, #tpu.memory_space<hbm>>, %arg8: memref<8192x128xf32, #tpu.memory_space<hbm>>, %arg9: memref<8192x128xf32, #tpu.memory_space<hbm>>, %arg10: memref<8192x128xf32, #tpu.memory_space<hbm>>, %arg11: memref<8192x128xf32, #tpu.memory_space<hbm>>, %arg12: memref<8x128xi32, #tpu.memory_space<vmem>>, %arg13: memref<2x256x128xf32, #tpu.memory_space<vmem>>, %arg14: memref<1000x128xf32, #tpu.memory_space<vmem_shared>>, %arg15: memref<!tpu.dma_semaphore, #tpu.memory_space<semaphore_mem>>, %arg16: memref<!tpu.dma_semaphore, #tpu.memory_space<semaphore_mem>>, %arg17: memref<!tpu.dma_semaphore, #tpu.memory_space<semaphore_mem>>, %arg18: memref<!tpu.dma_semaphore, #tpu.memory_space<semaphore_mem>>) attributes {dimension_semantics = [#tpu.dimension_semantics<core_parallel>, #tpu.dimension_semantics<subcore_parallel>], iteration_bounds = array<i64: 2, 16>, scalar_prefetch = 0 : i64, scratch_operands = 7 : i64, tpu.core_type = #tpu.core_type<sc_vector_subcore>, window_params = [{transform_indices = #map}, {transform_indices = #map}, {transform_indices = #map}, {transform_indices = #map}, {transform_indices = #map1}, {transform_indices = #map1}, {transform_indices = #map1}, {transform_indices = #map1}, {transform_indices = #map1}, {transform_indices = #map1}]} {
    %mul3A = arith.constant 2 : i32
    %mul3A_0 = arith.muli %arg1, %mul3A : i32
    %add3A = arith.addi %mul3A_0, %arg0 : i32
    %eq3A = arith.constant 0 : i32
    %eq3A_1 = arith.cmpi eq, %arg1, %eq3A : i32
    %convert_element_type3A = arith.extui %eq3A_1 : i1 to i32
    %cond3A = arith.constant 0 : i32
    %cond3A_2 = arith.cmpi ne, %convert_element_type3A, %cond3A : i32
    scf.if %cond3A_2 {
      tpu.enqueue_dma source(%arg7 : memref<1000x128xf32, #tpu.memory_space<hbm>>) target(%arg14 : memref<1000x128xf32, #tpu.memory_space<vmem_shared>>) target_semaphore(%arg18 : memref<!tpu.dma_semaphore, #tpu.memory_space<semaphore_mem>>)
    } else {
    }
    %add3A_3 = arith.constant 32 : i32
    %add3A_4 = arith.addi %add3A_3, %add3A : i32
    "tpu.region"() ({
      %run_scoped3A = tpu.sem_alloc : memref<!tpu.dma_semaphore, #tpu.memory_space<semaphore_mem>>
      %dma_start3A_318 = arith.constant 0 : i32
      %dma_start3A_319 = arith.constant 0 : i32
      %dma_start3A_320 = tpu.memref_slice %arg12[%dma_start3A_318, %dma_start3A_319] : memref<8x128xi32, #tpu.memory_space<vmem>> -> memref<2x128xi32, #tpu.memory_space<vmem>>
      %dma_start3A_321 = arith.constant 0 : i32
      %dma_start3A_322 = arith.constant 0 : i32
      %dma_start3A_323 = tpu.memref_slice %arg2[%add3A_4, %dma_start3A_321, %dma_start3A_322] : memref<64x2x128xi32, #tpu.memory_space<hbm>> -> memref<1x2x128xi32, #tpu.memory_space<hbm>>
      %dma_start3A_324 = tpu.memref_squeeze %dma_start3A_323 : memref<1x2x128xi32, #tpu.memory_space<hbm>> -> memref<2x128xi32, #tpu.memory_space<hbm>>
      %dma_start3A_325 = arith.constant 0 : i32
      %dma_start3A_326 = arith.constant 0 : i32
      %dma_start3A_327 = tpu.memref_slice %arg12[%dma_start3A_325, %dma_start3A_326] : memref<8x128xi32, #tpu.memory_space<vmem>> -> memref<2x128xi32, #tpu.memory_space<vmem>>
      %dma_start3A_328 = arith.constant 0 : i32
      %dma_start3A_329 = arith.constant 0 : i32
      %dma_start3A_330 = tpu.memref_slice %arg2[%add3A_4, %dma_start3A_328, %dma_start3A_329] : memref<64x2x128xi32, #tpu.memory_space<hbm>> -> memref<1x2x128xi32, #tpu.memory_space<hbm>>
      %dma_start3A_331 = tpu.memref_squeeze %dma_start3A_330 : memref<1x2x128xi32, #tpu.memory_space<hbm>> -> memref<2x128xi32, #tpu.memory_space<hbm>>
      tpu.enqueue_dma source(%dma_start3A_331 : memref<2x128xi32, #tpu.memory_space<hbm>>) target(%dma_start3A_327 : memref<2x128xi32, #tpu.memory_space<vmem>>) target_semaphore(%run_scoped3A : memref<!tpu.dma_semaphore, #tpu.memory_space<semaphore_mem>>)
      %dma_wait3A_332 = arith.constant 0 : i32
      %dma_wait3A_333 = arith.constant 0 : i32
      %dma_wait3A_334 = tpu.memref_slice %arg12[%dma_wait3A_332, %dma_wait3A_333] : memref<8x128xi32, #tpu.memory_space<vmem>> -> memref<2x128xi32, #tpu.memory_space<vmem>>
      %dma_wait3A_335 = arith.constant 0 : i32
      %dma_wait3A_336 = arith.constant 0 : i32
      %dma_wait3A_337 = tpu.memref_slice %arg2[%add3A_4, %dma_wait3A_335, %dma_wait3A_336] : memref<64x2x128xi32, #tpu.memory_space<hbm>> -> memref<1x2x128xi32, #tpu.memory_space<hbm>>
      %dma_wait3A_338 = tpu.memref_squeeze %dma_wait3A_337 : memref<1x2x128xi32, #tpu.memory_space<hbm>> -> memref<2x128xi32, #tpu.memory_space<hbm>>
      %dma_wait3A_339 = arith.constant 0 : i32
      %dma_wait3A_340 = arith.constant 0 : i32
      %dma_wait3A_341 = tpu.memref_slice %arg12[%dma_wait3A_339, %dma_wait3A_340] : memref<8x128xi32, #tpu.memory_space<vmem>> -> memref<2x128xi32, #tpu.memory_space<vmem>>
      %dma_wait3A_342 = arith.constant 0 : i32
      %dma_wait3A_343 = arith.constant 0 : i32
      %dma_wait3A_344 = tpu.memref_slice %arg2[%add3A_4, %dma_wait3A_342, %dma_wait3A_343] : memref<64x2x128xi32, #tpu.memory_space<hbm>> -> memref<1x2x128xi32, #tpu.memory_space<hbm>>
      %dma_wait3A_345 = tpu.memref_squeeze %dma_wait3A_344 : memref<1x2x128xi32, #tpu.memory_space<hbm>> -> memref<2x128xi32, #tpu.memory_space<hbm>>
      tpu.wait_dma2 semaphore(%run_scoped3A : memref<!tpu.dma_semaphore, #tpu.memory_space<semaphore_mem>>) src(%dma_wait3A_345 : memref<2x128xi32, #tpu.memory_space<hbm>>) dst(%dma_wait3A_341 : memref<2x128xi32, #tpu.memory_space<vmem>>)
      tpu.yield
    }) : () -> ()
    %add3A_5 = arith.constant 32 : i32
    %add3A_6 = arith.addi %add3A_5, %add3A : i32
    "tpu.region"() ({
      %run_scoped3A = tpu.sem_alloc : memref<!tpu.dma_semaphore, #tpu.memory_space<semaphore_mem>>
      %dma_start3A_318 = arith.constant 2 : i32
      %dma_start3A_319 = arith.constant 0 : i32
      %dma_start3A_320 = tpu.memref_slice %arg12[%dma_start3A_318, %dma_start3A_319] : memref<8x128xi32, #tpu.memory_space<vmem>> -> memref<2x128xi32, #tpu.memory_space<vmem>>
      %dma_start3A_321 = arith.constant 0 : i32
      %dma_start3A_322 = arith.constant 0 : i32
      %dma_start3A_323 = tpu.memref_slice %arg3[%add3A_6, %dma_start3A_321, %dma_start3A_322] : memref<64x2x128xi32, #tpu.memory_space<hbm>> -> memref<1x2x128xi32, #tpu.memory_space<hbm>>
      %dma_start3A_324 = tpu.memref_squeeze %dma_start3A_323 : memref<1x2x128xi32, #tpu.memory_space<hbm>> -> memref<2x128xi32, #tpu.memory_space<hbm>>
      %dma_start3A_325 = arith.constant 2 : i32
      %dma_start3A_326 = arith.constant 0 : i32
      %dma_start3A_327 = tpu.memref_slice %arg12[%dma_start3A_325, %dma_start3A_326] : memref<8x128xi32, #tpu.memory_space<vmem>> -> memref<2x128xi32, #tpu.memory_space<vmem>>
      %dma_start3A_328 = arith.constant 0 : i32
      %dma_start3A_329 = arith.constant 0 : i32
      %dma_start3A_330 = tpu.memref_slice %arg3[%add3A_6, %dma_start3A_328, %dma_start3A_329] : memref<64x2x128xi32, #tpu.memory_space<hbm>> -> memref<1x2x128xi32, #tpu.memory_space<hbm>>
      %dma_start3A_331 = tpu.memref_squeeze %dma_start3A_330 : memref<1x2x128xi32, #tpu.memory_space<hbm>> -> memref<2x128xi32, #tpu.memory_space<hbm>>
      tpu.enqueue_dma source(%dma_start3A_331 : memref<2x128xi32, #tpu.memory_space<hbm>>) target(%dma_start3A_327 : memref<2x128xi32, #tpu.memory_space<vmem>>) target_semaphore(%run_scoped3A : memref<!tpu.dma_semaphore, #tpu.memory_space<semaphore_mem>>)
      %dma_wait3A_332 = arith.constant 2 : i32
      %dma_wait3A_333 = arith.constant 0 : i32
      %dma_wait3A_334 = tpu.memref_slice %arg12[%dma_wait3A_332, %dma_wait3A_333] : memref<8x128xi32, #tpu.memory_space<vmem>> -> memref<2x128xi32, #tpu.memory_space<vmem>>
      %dma_wait3A_335 = arith.constant 0 : i32
      %dma_wait3A_336 = arith.constant 0 : i32
      %dma_wait3A_337 = tpu.memref_slice %arg3[%add3A_6, %dma_wait3A_335, %dma_wait3A_336] : memref<64x2x128xi32, #tpu.memory_space<hbm>> -> memref<1x2x128xi32, #tpu.memory_space<hbm>>
      %dma_wait3A_338 = tpu.memref_squeeze %dma_wait3A_337 : memref<1x2x128xi32, #tpu.memory_space<hbm>> -> memref<2x128xi32, #tpu.memory_space<hbm>>
      %dma_wait3A_339 = arith.constant 2 : i32
      %dma_wait3A_340 = arith.constant 0 : i32
      %dma_wait3A_341 = tpu.memref_slice %arg12[%dma_wait3A_339, %dma_wait3A_340] : memref<8x128xi32, #tpu.memory_space<vmem>> -> memref<2x128xi32, #tpu.memory_space<vmem>>
      %dma_wait3A_342 = arith.constant 0 : i32
      %dma_wait3A_343 = arith.constant 0 : i32
      %dma_wait3A_344 = tpu.memref_slice %arg3[%add3A_6, %dma_wait3A_342, %dma_wait3A_343] : memref<64x2x128xi32, #tpu.memory_space<hbm>> -> memref<1x2x128xi32, #tpu.memory_space<hbm>>
      %dma_wait3A_345 = tpu.memref_squeeze %dma_wait3A_344 : memref<1x2x128xi32, #tpu.memory_space<hbm>> -> memref<2x128xi32, #tpu.memory_space<hbm>>
      tpu.wait_dma2 semaphore(%run_scoped3A : memref<!tpu.dma_semaphore, #tpu.memory_space<semaphore_mem>>) src(%dma_wait3A_345 : memref<2x128xi32, #tpu.memory_space<hbm>>) dst(%dma_wait3A_341 : memref<2x128xi32, #tpu.memory_space<vmem>>)
      tpu.yield
    }) : () -> ()
    %add3A_7 = arith.constant 32 : i32
    %add3A_8 = arith.addi %add3A_7, %add3A : i32
    "tpu.region"() ({
      %run_scoped3A = tpu.sem_alloc : memref<!tpu.dma_semaphore, #tpu.memory_space<semaphore_mem>>
      %dma_start3A_318 = arith.constant 4 : i32
      %dma_start3A_319 = arith.constant 0 : i32
      %dma_start3A_320 = tpu.memref_slice %arg12[%dma_start3A_318, %dma_start3A_319] : memref<8x128xi32, #tpu.memory_space<vmem>> -> memref<2x128xi32, #tpu.memory_space<vmem>>
      %dma_start3A_321 = arith.constant 0 : i32
      %dma_start3A_322 = arith.constant 0 : i32
      %dma_start3A_323 = tpu.memref_slice %arg4[%add3A_8, %dma_start3A_321, %dma_start3A_322] : memref<64x2x128xi32, #tpu.memory_space<hbm>> -> memref<1x2x128xi32, #tpu.memory_space<hbm>>
      %dma_start3A_324 = tpu.memref_squeeze %dma_start3A_323 : memref<1x2x128xi32, #tpu.memory_space<hbm>> -> memref<2x128xi32, #tpu.memory_space<hbm>>
      %dma_start3A_325 = arith.constant 4 : i32
      %dma_start3A_326 = arith.constant 0 : i32
      %dma_start3A_327 = tpu.memref_slice %arg12[%dma_start3A_325, %dma_start3A_326] : memref<8x128xi32, #tpu.memory_space<vmem>> -> memref<2x128xi32, #tpu.memory_space<vmem>>
      %dma_start3A_328 = arith.constant 0 : i32
      %dma_start3A_329 = arith.constant 0 : i32
      %dma_start3A_330 = tpu.memref_slice %arg4[%add3A_8, %dma_start3A_328, %dma_start3A_329] : memref<64x2x128xi32, #tpu.memory_space<hbm>> -> memref<1x2x128xi32, #tpu.memory_space<hbm>>
      %dma_start3A_331 = tpu.memref_squeeze %dma_start3A_330 : memref<1x2x128xi32, #tpu.memory_space<hbm>> -> memref<2x128xi32, #tpu.memory_space<hbm>>
      tpu.enqueue_dma source(%dma_start3A_331 : memref<2x128xi32, #tpu.memory_space<hbm>>) target(%dma_start3A_327 : memref<2x128xi32, #tpu.memory_space<vmem>>) target_semaphore(%run_scoped3A : memref<!tpu.dma_semaphore, #tpu.memory_space<semaphore_mem>>)
      %dma_wait3A_332 = arith.constant 4 : i32
      %dma_wait3A_333 = arith.constant 0 : i32
      %dma_wait3A_334 = tpu.memref_slice %arg12[%dma_wait3A_332, %dma_wait3A_333] : memref<8x128xi32, #tpu.memory_space<vmem>> -> memref<2x128xi32, #tpu.memory_space<vmem>>
      %dma_wait3A_335 = arith.constant 0 : i32
      %dma_wait3A_336 = arith.constant 0 : i32
      %dma_wait3A_337 = tpu.memref_slice %arg4[%add3A_8, %dma_wait3A_335, %dma_wait3A_336] : memref<64x2x128xi32, #tpu.memory_space<hbm>> -> memref<1x2x128xi32, #tpu.memory_space<hbm>>
      %dma_wait3A_338 = tpu.memref_squeeze %dma_wait3A_337 : memref<1x2x128xi32, #tpu.memory_space<hbm>> -> memref<2x128xi32, #tpu.memory_space<hbm>>
      %dma_wait3A_339 = arith.constant 4 : i32
      %dma_wait3A_340 = arith.constant 0 : i32
      %dma_wait3A_341 = tpu.memref_slice %arg12[%dma_wait3A_339, %dma_wait3A_340] : memref<8x128xi32, #tpu.memory_space<vmem>> -> memref<2x128xi32, #tpu.memory_space<vmem>>
      %dma_wait3A_342 = arith.constant 0 : i32
      %dma_wait3A_343 = arith.constant 0 : i32
      %dma_wait3A_344 = tpu.memref_slice %arg4[%add3A_8, %dma_wait3A_342, %dma_wait3A_343] : memref<64x2x128xi32, #tpu.memory_space<hbm>> -> memref<1x2x128xi32, #tpu.memory_space<hbm>>
      %dma_wait3A_345 = tpu.memref_squeeze %dma_wait3A_344 : memref<1x2x128xi32, #tpu.memory_space<hbm>> -> memref<2x128xi32, #tpu.memory_space<hbm>>
      tpu.wait_dma2 semaphore(%run_scoped3A : memref<!tpu.dma_semaphore, #tpu.memory_space<semaphore_mem>>) src(%dma_wait3A_345 : memref<2x128xi32, #tpu.memory_space<hbm>>) dst(%dma_wait3A_341 : memref<2x128xi32, #tpu.memory_space<vmem>>)
      tpu.yield
    }) : () -> ()
    %add3A_9 = arith.constant 32 : i32
    %add3A_10 = arith.addi %add3A_9, %add3A : i32
    "tpu.region"() ({
      %run_scoped3A = tpu.sem_alloc : memref<!tpu.dma_semaphore, #tpu.memory_space<semaphore_mem>>
      %dma_start3A_318 = arith.constant 6 : i32
      %dma_start3A_319 = arith.constant 0 : i32
      %dma_start3A_320 = tpu.memref_slice %arg12[%dma_start3A_318, %dma_start3A_319] : memref<8x128xi32, #tpu.memory_space<vmem>> -> memref<2x128xi32, #tpu.memory_space<vmem>>
      %dma_start3A_321 = arith.constant 0 : i32
      %dma_start3A_322 = arith.constant 0 : i32
      %dma_start3A_323 = tpu.memref_slice %arg5[%add3A_10, %dma_start3A_321, %dma_start3A_322] : memref<64x2x128xi32, #tpu.memory_space<hbm>> -> memref<1x2x128xi32, #tpu.memory_space<hbm>>
      %dma_start3A_324 = tpu.memref_squeeze %dma_start3A_323 : memref<1x2x128xi32, #tpu.memory_space<hbm>> -> memref<2x128xi32, #tpu.memory_space<hbm>>
      %dma_start3A_325 = arith.constant 6 : i32
      %dma_start3A_326 = arith.constant 0 : i32
      %dma_start3A_327 = tpu.memref_slice %arg12[%dma_start3A_325, %dma_start3A_326] : memref<8x128xi32, #tpu.memory_space<vmem>> -> memref<2x128xi32, #tpu.memory_space<vmem>>
      %dma_start3A_328 = arith.constant 0 : i32
      %dma_start3A_329 = arith.constant 0 : i32
      %dma_start3A_330 = tpu.memref_slice %arg5[%add3A_10, %dma_start3A_328, %dma_start3A_329] : memref<64x2x128xi32, #tpu.memory_space<hbm>> -> memref<1x2x128xi32, #tpu.memory_space<hbm>>
      %dma_start3A_331 = tpu.memref_squeeze %dma_start3A_330 : memref<1x2x128xi32, #tpu.memory_space<hbm>> -> memref<2x128xi32, #tpu.memory_space<hbm>>
      tpu.enqueue_dma source(%dma_start3A_331 : memref<2x128xi32, #tpu.memory_space<hbm>>) target(%dma_start3A_327 : memref<2x128xi32, #tpu.memory_space<vmem>>) target_semaphore(%run_scoped3A : memref<!tpu.dma_semaphore, #tpu.memory_space<semaphore_mem>>)
      %dma_wait3A_332 = arith.constant 6 : i32
      %dma_wait3A_333 = arith.constant 0 : i32
      %dma_wait3A_334 = tpu.memref_slice %arg12[%dma_wait3A_332, %dma_wait3A_333] : memref<8x128xi32, #tpu.memory_space<vmem>> -> memref<2x128xi32, #tpu.memory_space<vmem>>
      %dma_wait3A_335 = arith.constant 0 : i32
      %dma_wait3A_336 = arith.constant 0 : i32
      %dma_wait3A_337 = tpu.memref_slice %arg5[%add3A_10, %dma_wait3A_335, %dma_wait3A_336] : memref<64x2x128xi32, #tpu.memory_space<hbm>> -> memref<1x2x128xi32, #tpu.memory_space<hbm>>
      %dma_wait3A_338 = tpu.memref_squeeze %dma_wait3A_337 : memref<1x2x128xi32, #tpu.memory_space<hbm>> -> memref<2x128xi32, #tpu.memory_space<hbm>>
      %dma_wait3A_339 = arith.constant 6 : i32
      %dma_wait3A_340 = arith.constant 0 : i32
      %dma_wait3A_341 = tpu.memref_slice %arg12[%dma_wait3A_339, %dma_wait3A_340] : memref<8x128xi32, #tpu.memory_space<vmem>> -> memref<2x128xi32, #tpu.memory_space<vmem>>
      %dma_wait3A_342 = arith.constant 0 : i32
      %dma_wait3A_343 = arith.constant 0 : i32
      %dma_wait3A_344 = tpu.memref_slice %arg5[%add3A_10, %dma_wait3A_342, %dma_wait3A_343] : memref<64x2x128xi32, #tpu.memory_space<hbm>> -> memref<1x2x128xi32, #tpu.memory_space<hbm>>
      %dma_wait3A_345 = tpu.memref_squeeze %dma_wait3A_344 : memref<1x2x128xi32, #tpu.memory_space<hbm>> -> memref<2x128xi32, #tpu.memory_space<hbm>>
      tpu.wait_dma2 semaphore(%run_scoped3A : memref<!tpu.dma_semaphore, #tpu.memory_space<semaphore_mem>>) src(%dma_wait3A_345 : memref<2x128xi32, #tpu.memory_space<hbm>>) dst(%dma_wait3A_341 : memref<2x128xi32, #tpu.memory_space<vmem>>)
      tpu.yield
    }) : () -> ()
    %dma_start3A = arith.constant 0 : i32
    %dma_start3A_11 = arith.constant 0 : i32
    %dma_start3A_12 = arith.constant 0 : i32
    %dma_start3A_13 = arith.constant 0 : i32
    %dma_start3A_14 = tpu.memref_slice %arg13[%dma_start3A_11, %dma_start3A_12, %dma_start3A_13] : memref<2x256x128xf32, #tpu.memory_space<vmem>> -> memref<1x128x128xf32, #tpu.memory_space<vmem>>
    %dma_start3A_15 = tpu.memref_squeeze %dma_start3A_14 : memref<1x128x128xf32, #tpu.memory_space<vmem>> -> memref<128x128xf32, #tpu.memory_space<vmem>>
    %dma_start3A_16 = arith.constant 0 : i32
    %dma_start3A_17 = tpu.memref_slice %arg12[%dma_start3A, %dma_start3A_16] : memref<8x128xi32, #tpu.memory_space<vmem>> -> memref<1x128xi32, #tpu.memory_space<vmem>>
    %dma_start3A_18 = tpu.memref_squeeze %dma_start3A_17 : memref<1x128xi32, #tpu.memory_space<vmem>> -> memref<128xi32, #tpu.memory_space<vmem>>
    %dma_start3A_19 = arith.constant 0 : i32
    %dma_start3A_20 = arith.constant 0 : i32
    %dma_start3A_21 = tpu.memref_slice %arg6[%dma_start3A_19, %dma_start3A_20] : memref<100000x128xf32, #tpu.memory_space<hbm>> -> memref<100000x128xf32, #tpu.memory_space<hbm>>
    tpu.enqueue_indirect_dma source(%dma_start3A_21 : memref<100000x128xf32, #tpu.memory_space<hbm>>) target(%dma_start3A_15 : memref<128x128xf32, #tpu.memory_space<vmem>>) offsets(%dma_start3A_18 : memref<128xi32, #tpu.memory_space<vmem>>) semaphore(%arg15 : memref<!tpu.dma_semaphore, #tpu.memory_space<semaphore_mem>>)
    %dma_start3A_22 = arith.constant 1 : i32
    %dma_start3A_23 = arith.constant 0 : i32
    %dma_start3A_24 = arith.constant 128 : i32
    %dma_start3A_25 = arith.constant 0 : i32
    %dma_start3A_26 = tpu.memref_slice %arg13[%dma_start3A_23, %dma_start3A_24, %dma_start3A_25] : memref<2x256x128xf32, #tpu.memory_space<vmem>> -> memref<1x128x128xf32, #tpu.memory_space<vmem>>
    %dma_start3A_27 = tpu.memref_squeeze %dma_start3A_26 : memref<1x128x128xf32, #tpu.memory_space<vmem>> -> memref<128x128xf32, #tpu.memory_space<vmem>>
    %dma_start3A_28 = arith.constant 0 : i32
    %dma_start3A_29 = tpu.memref_slice %arg12[%dma_start3A_22, %dma_start3A_28] : memref<8x128xi32, #tpu.memory_space<vmem>> -> memref<1x128xi32, #tpu.memory_space<vmem>>
    %dma_start3A_30 = tpu.memref_squeeze %dma_start3A_29 : memref<1x128xi32, #tpu.memory_space<vmem>> -> memref<128xi32, #tpu.memory_space<vmem>>
    %dma_start3A_31 = arith.constant 0 : i32
    %dma_start3A_32 = arith.constant 0 : i32
    %dma_start3A_33 = tpu.memref_slice %arg6[%dma_start3A_31, %dma_start3A_32] : memref<100000x128xf32, #tpu.memory_space<hbm>> -> memref<100000x128xf32, #tpu.memory_space<hbm>>
    tpu.enqueue_indirect_dma source(%dma_start3A_33 : memref<100000x128xf32, #tpu.memory_space<hbm>>) target(%dma_start3A_27 : memref<128x128xf32, #tpu.memory_space<vmem>>) offsets(%dma_start3A_30 : memref<128xi32, #tpu.memory_space<vmem>>) semaphore(%arg15 : memref<!tpu.dma_semaphore, #tpu.memory_space<semaphore_mem>>)
    %dma_wait3A = arith.constant 0 : i32
    %dma_wait3A_34 = arith.constant 0 : i32
    %dma_wait3A_35 = arith.constant 0 : i32
    %dma_wait3A_36 = arith.constant 0 : i32
    %dma_wait3A_37 = tpu.memref_slice %arg13[%dma_wait3A_34, %dma_wait3A_35, %dma_wait3A_36] : memref<2x256x128xf32, #tpu.memory_space<vmem>> -> memref<1x128x128xf32, #tpu.memory_space<vmem>>
    %dma_wait3A_38 = tpu.memref_squeeze %dma_wait3A_37 : memref<1x128x128xf32, #tpu.memory_space<vmem>> -> memref<128x128xf32, #tpu.memory_space<vmem>>
    %dma_wait3A_39 = arith.constant 0 : i32
    %dma_wait3A_40 = tpu.memref_slice %arg12[%dma_wait3A, %dma_wait3A_39] : memref<8x128xi32, #tpu.memory_space<vmem>> -> memref<1x128xi32, #tpu.memory_space<vmem>>
    %dma_wait3A_41 = tpu.memref_squeeze %dma_wait3A_40 : memref<1x128xi32, #tpu.memory_space<vmem>> -> memref<128xi32, #tpu.memory_space<vmem>>
    %dma_wait3A_42 = arith.constant 0 : i32
    %dma_wait3A_43 = arith.constant 0 : i32
    %dma_wait3A_44 = tpu.memref_slice %arg6[%dma_wait3A_42, %dma_wait3A_43] : memref<100000x128xf32, #tpu.memory_space<hbm>> -> memref<100000x128xf32, #tpu.memory_space<hbm>>
    tpu.wait_indirect_dma semaphore(%arg15 : memref<!tpu.dma_semaphore, #tpu.memory_space<semaphore_mem>>) src(%dma_wait3A_44 : memref<100000x128xf32, #tpu.memory_space<hbm>>) dst(%dma_wait3A_38 : memref<128x128xf32, #tpu.memory_space<vmem>>)
    %dma_wait3A_45 = arith.constant 1 : i32
    %dma_wait3A_46 = arith.constant 0 : i32
    %dma_wait3A_47 = arith.constant 128 : i32
    %dma_wait3A_48 = arith.constant 0 : i32
    %dma_wait3A_49 = tpu.memref_slice %arg13[%dma_wait3A_46, %dma_wait3A_47, %dma_wait3A_48] : memref<2x256x128xf32, #tpu.memory_space<vmem>> -> memref<1x128x128xf32, #tpu.memory_space<vmem>>
    %dma_wait3A_50 = tpu.memref_squeeze %dma_wait3A_49 : memref<1x128x128xf32, #tpu.memory_space<vmem>> -> memref<128x128xf32, #tpu.memory_space<vmem>>
    %dma_wait3A_51 = arith.constant 0 : i32
    %dma_wait3A_52 = tpu.memref_slice %arg12[%dma_wait3A_45, %dma_wait3A_51] : memref<8x128xi32, #tpu.memory_space<vmem>> -> memref<1x128xi32, #tpu.memory_space<vmem>>
    %dma_wait3A_53 = tpu.memref_squeeze %dma_wait3A_52 : memref<1x128xi32, #tpu.memory_space<vmem>> -> memref<128xi32, #tpu.memory_space<vmem>>
    %dma_wait3A_54 = arith.constant 0 : i32
    %dma_wait3A_55 = arith.constant 0 : i32
    %dma_wait3A_56 = tpu.memref_slice %arg6[%dma_wait3A_54, %dma_wait3A_55] : memref<100000x128xf32, #tpu.memory_space<hbm>> -> memref<100000x128xf32, #tpu.memory_space<hbm>>
    tpu.wait_indirect_dma semaphore(%arg15 : memref<!tpu.dma_semaphore, #tpu.memory_space<semaphore_mem>>) src(%dma_wait3A_56 : memref<100000x128xf32, #tpu.memory_space<hbm>>) dst(%dma_wait3A_50 : memref<128x128xf32, #tpu.memory_space<vmem>>)
    %dma_start3A_57 = arith.constant 2 : i32
    %dma_start3A_58 = arith.constant 1 : i32
    %dma_start3A_59 = arith.constant 0 : i32
    %dma_start3A_60 = arith.constant 0 : i32
    %dma_start3A_61 = tpu.memref_slice %arg13[%dma_start3A_58, %dma_start3A_59, %dma_start3A_60] : memref<2x256x128xf32, #tpu.memory_space<vmem>> -> memref<1x128x128xf32, #tpu.memory_space<vmem>>
    %dma_start3A_62 = tpu.memref_squeeze %dma_start3A_61 : memref<1x128x128xf32, #tpu.memory_space<vmem>> -> memref<128x128xf32, #tpu.memory_space<vmem>>
    %dma_start3A_63 = arith.constant 0 : i32
    %dma_start3A_64 = tpu.memref_slice %arg12[%dma_start3A_57, %dma_start3A_63] : memref<8x128xi32, #tpu.memory_space<vmem>> -> memref<1x128xi32, #tpu.memory_space<vmem>>
    %dma_start3A_65 = tpu.memref_squeeze %dma_start3A_64 : memref<1x128xi32, #tpu.memory_space<vmem>> -> memref<128xi32, #tpu.memory_space<vmem>>
    %dma_start3A_66 = arith.constant 0 : i32
    %dma_start3A_67 = arith.constant 0 : i32
    %dma_start3A_68 = tpu.memref_slice %arg6[%dma_start3A_66, %dma_start3A_67] : memref<100000x128xf32, #tpu.memory_space<hbm>> -> memref<100000x128xf32, #tpu.memory_space<hbm>>
    tpu.enqueue_indirect_dma source(%dma_start3A_68 : memref<100000x128xf32, #tpu.memory_space<hbm>>) target(%dma_start3A_62 : memref<128x128xf32, #tpu.memory_space<vmem>>) offsets(%dma_start3A_65 : memref<128xi32, #tpu.memory_space<vmem>>) semaphore(%arg15 : memref<!tpu.dma_semaphore, #tpu.memory_space<semaphore_mem>>)
    %dma_start3A_69 = arith.constant 3 : i32
    %dma_start3A_70 = arith.constant 1 : i32
    %dma_start3A_71 = arith.constant 128 : i32
    %dma_start3A_72 = arith.constant 0 : i32
    %dma_start3A_73 = tpu.memref_slice %arg13[%dma_start3A_70, %dma_start3A_71, %dma_start3A_72] : memref<2x256x128xf32, #tpu.memory_space<vmem>> -> memref<1x128x128xf32, #tpu.memory_space<vmem>>
    %dma_start3A_74 = tpu.memref_squeeze %dma_start3A_73 : memref<1x128x128xf32, #tpu.memory_space<vmem>> -> memref<128x128xf32, #tpu.memory_space<vmem>>
    %dma_start3A_75 = arith.constant 0 : i32
    %dma_start3A_76 = tpu.memref_slice %arg12[%dma_start3A_69, %dma_start3A_75] : memref<8x128xi32, #tpu.memory_space<vmem>> -> memref<1x128xi32, #tpu.memory_space<vmem>>
    %dma_start3A_77 = tpu.memref_squeeze %dma_start3A_76 : memref<1x128xi32, #tpu.memory_space<vmem>> -> memref<128xi32, #tpu.memory_space<vmem>>
    %dma_start3A_78 = arith.constant 0 : i32
    %dma_start3A_79 = arith.constant 0 : i32
    %dma_start3A_80 = tpu.memref_slice %arg6[%dma_start3A_78, %dma_start3A_79] : memref<100000x128xf32, #tpu.memory_space<hbm>> -> memref<100000x128xf32, #tpu.memory_space<hbm>>
    tpu.enqueue_indirect_dma source(%dma_start3A_80 : memref<100000x128xf32, #tpu.memory_space<hbm>>) target(%dma_start3A_74 : memref<128x128xf32, #tpu.memory_space<vmem>>) offsets(%dma_start3A_77 : memref<128xi32, #tpu.memory_space<vmem>>) semaphore(%arg15 : memref<!tpu.dma_semaphore, #tpu.memory_space<semaphore_mem>>)
    %mul3A_81 = arith.constant 256 : i32
    %mul3A_82 = arith.muli %add3A, %mul3A_81 : i32
    %dma_start3A_83 = arith.constant 0 : i32
    %dma_start3A_84 = arith.constant 0 : i32
    %dma_start3A_85 = arith.constant 0 : i32
    %dma_start3A_86 = tpu.memref_slice %arg13[%dma_start3A_83, %dma_start3A_84, %dma_start3A_85] : memref<2x256x128xf32, #tpu.memory_space<vmem>> -> memref<1x256x128xf32, #tpu.memory_space<vmem>>
    %dma_start3A_87 = tpu.memref_squeeze %dma_start3A_86 : memref<1x256x128xf32, #tpu.memory_space<vmem>> -> memref<256x128xf32, #tpu.memory_space<vmem>>
    %dma_start3A_88 = arith.constant 0 : i32
    %dma_start3A_89 = tpu.memref_slice %arg8[%mul3A_82, %dma_start3A_88] : memref<8192x128xf32, #tpu.memory_space<hbm>> -> memref<256x128xf32, #tpu.memory_space<hbm>>
    %dma_start3A_90 = arith.constant 0 : i32
    %dma_start3A_91 = tpu.memref_slice %arg8[%mul3A_82, %dma_start3A_90] : memref<8192x128xf32, #tpu.memory_space<hbm>> -> memref<256x128xf32, #tpu.memory_space<hbm>>
    %dma_start3A_92 = arith.constant 0 : i32
    %dma_start3A_93 = arith.constant 0 : i32
    %dma_start3A_94 = tpu.memref_slice %arg13[%dma_start3A_83, %dma_start3A_92, %dma_start3A_93] : memref<2x256x128xf32, #tpu.memory_space<vmem>> -> memref<1x256x128xf32, #tpu.memory_space<vmem>>
    %dma_start3A_95 = tpu.memref_squeeze %dma_start3A_94 : memref<1x256x128xf32, #tpu.memory_space<vmem>> -> memref<256x128xf32, #tpu.memory_space<vmem>>
    tpu.enqueue_dma source(%dma_start3A_95 : memref<256x128xf32, #tpu.memory_space<vmem>>) target(%dma_start3A_91 : memref<256x128xf32, #tpu.memory_space<hbm>>) target_semaphore(%arg16 : memref<!tpu.dma_semaphore, #tpu.memory_space<semaphore_mem>>)
    %dma_wait3A_96 = arith.constant 2 : i32
    %dma_wait3A_97 = arith.constant 1 : i32
    %dma_wait3A_98 = arith.constant 0 : i32
    %dma_wait3A_99 = arith.constant 0 : i32
    %dma_wait3A_100 = tpu.memref_slice %arg13[%dma_wait3A_97, %dma_wait3A_98, %dma_wait3A_99] : memref<2x256x128xf32, #tpu.memory_space<vmem>> -> memref<1x128x128xf32, #tpu.memory_space<vmem>>
    %dma_wait3A_101 = tpu.memref_squeeze %dma_wait3A_100 : memref<1x128x128xf32, #tpu.memory_space<vmem>> -> memref<128x128xf32, #tpu.memory_space<vmem>>
    %dma_wait3A_102 = arith.constant 0 : i32
    %dma_wait3A_103 = tpu.memref_slice %arg12[%dma_wait3A_96, %dma_wait3A_102] : memref<8x128xi32, #tpu.memory_space<vmem>> -> memref<1x128xi32, #tpu.memory_space<vmem>>
    %dma_wait3A_104 = tpu.memref_squeeze %dma_wait3A_103 : memref<1x128xi32, #tpu.memory_space<vmem>> -> memref<128xi32, #tpu.memory_space<vmem>>
    %dma_wait3A_105 = arith.constant 0 : i32
    %dma_wait3A_106 = arith.constant 0 : i32
    %dma_wait3A_107 = tpu.memref_slice %arg6[%dma_wait3A_105, %dma_wait3A_106] : memref<100000x128xf32, #tpu.memory_space<hbm>> -> memref<100000x128xf32, #tpu.memory_space<hbm>>
    tpu.wait_indirect_dma semaphore(%arg15 : memref<!tpu.dma_semaphore, #tpu.memory_space<semaphore_mem>>) src(%dma_wait3A_107 : memref<100000x128xf32, #tpu.memory_space<hbm>>) dst(%dma_wait3A_101 : memref<128x128xf32, #tpu.memory_space<vmem>>)
    %dma_wait3A_108 = arith.constant 3 : i32
    %dma_wait3A_109 = arith.constant 1 : i32
    %dma_wait3A_110 = arith.constant 128 : i32
    %dma_wait3A_111 = arith.constant 0 : i32
    %dma_wait3A_112 = tpu.memref_slice %arg13[%dma_wait3A_109, %dma_wait3A_110, %dma_wait3A_111] : memref<2x256x128xf32, #tpu.memory_space<vmem>> -> memref<1x128x128xf32, #tpu.memory_space<vmem>>
    %dma_wait3A_113 = tpu.memref_squeeze %dma_wait3A_112 : memref<1x128x128xf32, #tpu.memory_space<vmem>> -> memref<128x128xf32, #tpu.memory_space<vmem>>
    %dma_wait3A_114 = arith.constant 0 : i32
    %dma_wait3A_115 = tpu.memref_slice %arg12[%dma_wait3A_108, %dma_wait3A_114] : memref<8x128xi32, #tpu.memory_space<vmem>> -> memref<1x128xi32, #tpu.memory_space<vmem>>
    %dma_wait3A_116 = tpu.memref_squeeze %dma_wait3A_115 : memref<1x128xi32, #tpu.memory_space<vmem>> -> memref<128xi32, #tpu.memory_space<vmem>>
    %dma_wait3A_117 = arith.constant 0 : i32
    %dma_wait3A_118 = arith.constant 0 : i32
    %dma_wait3A_119 = tpu.memref_slice %arg6[%dma_wait3A_117, %dma_wait3A_118] : memref<100000x128xf32, #tpu.memory_space<hbm>> -> memref<100000x128xf32, #tpu.memory_space<hbm>>
    tpu.wait_indirect_dma semaphore(%arg15 : memref<!tpu.dma_semaphore, #tpu.memory_space<semaphore_mem>>) src(%dma_wait3A_119 : memref<100000x128xf32, #tpu.memory_space<hbm>>) dst(%dma_wait3A_113 : memref<128x128xf32, #tpu.memory_space<vmem>>)
    %dma_wait3A_120 = arith.constant 0 : i32
    %dma_wait3A_121 = arith.constant 0 : i32
    %dma_wait3A_122 = arith.constant 0 : i32
    %dma_wait3A_123 = tpu.memref_slice %arg13[%dma_wait3A_120, %dma_wait3A_121, %dma_wait3A_122] : memref<2x256x128xf32, #tpu.memory_space<vmem>> -> memref<1x256x128xf32, #tpu.memory_space<vmem>>
    %dma_wait3A_124 = tpu.memref_squeeze %dma_wait3A_123 : memref<1x256x128xf32, #tpu.memory_space<vmem>> -> memref<256x128xf32, #tpu.memory_space<vmem>>
    %dma_wait3A_125 = arith.constant 0 : i32
    %dma_wait3A_126 = tpu.memref_slice %arg8[%mul3A_82, %dma_wait3A_125] : memref<8192x128xf32, #tpu.memory_space<hbm>> -> memref<256x128xf32, #tpu.memory_space<hbm>>
    %dma_wait3A_127 = arith.constant 0 : i32
    %dma_wait3A_128 = tpu.memref_slice %arg8[%mul3A_82, %dma_wait3A_127] : memref<8192x128xf32, #tpu.memory_space<hbm>> -> memref<256x128xf32, #tpu.memory_space<hbm>>
    %dma_wait3A_129 = arith.constant 0 : i32
    %dma_wait3A_130 = arith.constant 0 : i32
    %dma_wait3A_131 = tpu.memref_slice %arg13[%dma_wait3A_120, %dma_wait3A_129, %dma_wait3A_130] : memref<2x256x128xf32, #tpu.memory_space<vmem>> -> memref<1x256x128xf32, #tpu.memory_space<vmem>>
    %dma_wait3A_132 = tpu.memref_squeeze %dma_wait3A_131 : memref<1x256x128xf32, #tpu.memory_space<vmem>> -> memref<256x128xf32, #tpu.memory_space<vmem>>
    tpu.wait_dma2 semaphore(%arg16 : memref<!tpu.dma_semaphore, #tpu.memory_space<semaphore_mem>>) src(%dma_wait3A_132 : memref<256x128xf32, #tpu.memory_space<vmem>>) dst(%dma_wait3A_128 : memref<256x128xf32, #tpu.memory_space<hbm>>)
    %dma_start3A_133 = arith.constant 4 : i32
    %dma_start3A_134 = arith.constant 0 : i32
    %dma_start3A_135 = arith.constant 0 : i32
    %dma_start3A_136 = arith.constant 0 : i32
    %dma_start3A_137 = tpu.memref_slice %arg13[%dma_start3A_134, %dma_start3A_135, %dma_start3A_136] : memref<2x256x128xf32, #tpu.memory_space<vmem>> -> memref<1x128x128xf32, #tpu.memory_space<vmem>>
    %dma_start3A_138 = tpu.memref_squeeze %dma_start3A_137 : memref<1x128x128xf32, #tpu.memory_space<vmem>> -> memref<128x128xf32, #tpu.memory_space<vmem>>
    %dma_start3A_139 = arith.constant 0 : i32
    %dma_start3A_140 = tpu.memref_slice %arg12[%dma_start3A_133, %dma_start3A_139] : memref<8x128xi32, #tpu.memory_space<vmem>> -> memref<1x128xi32, #tpu.memory_space<vmem>>
    %dma_start3A_141 = tpu.memref_squeeze %dma_start3A_140 : memref<1x128xi32, #tpu.memory_space<vmem>> -> memref<128xi32, #tpu.memory_space<vmem>>
    %dma_start3A_142 = arith.constant 0 : i32
    %dma_start3A_143 = arith.constant 0 : i32
    %dma_start3A_144 = tpu.memref_slice %arg6[%dma_start3A_142, %dma_start3A_143] : memref<100000x128xf32, #tpu.memory_space<hbm>> -> memref<100000x128xf32, #tpu.memory_space<hbm>>
    tpu.enqueue_indirect_dma source(%dma_start3A_144 : memref<100000x128xf32, #tpu.memory_space<hbm>>) target(%dma_start3A_138 : memref<128x128xf32, #tpu.memory_space<vmem>>) offsets(%dma_start3A_141 : memref<128xi32, #tpu.memory_space<vmem>>) semaphore(%arg15 : memref<!tpu.dma_semaphore, #tpu.memory_space<semaphore_mem>>)
    %dma_start3A_145 = arith.constant 5 : i32
    %dma_start3A_146 = arith.constant 0 : i32
    %dma_start3A_147 = arith.constant 128 : i32
    %dma_start3A_148 = arith.constant 0 : i32
    %dma_start3A_149 = tpu.memref_slice %arg13[%dma_start3A_146, %dma_start3A_147, %dma_start3A_148] : memref<2x256x128xf32, #tpu.memory_space<vmem>> -> memref<1x128x128xf32, #tpu.memory_space<vmem>>
    %dma_start3A_150 = tpu.memref_squeeze %dma_start3A_149 : memref<1x128x128xf32, #tpu.memory_space<vmem>> -> memref<128x128xf32, #tpu.memory_space<vmem>>
    %dma_start3A_151 = arith.constant 0 : i32
    %dma_start3A_152 = tpu.memref_slice %arg12[%dma_start3A_145, %dma_start3A_151] : memref<8x128xi32, #tpu.memory_space<vmem>> -> memref<1x128xi32, #tpu.memory_space<vmem>>
    %dma_start3A_153 = tpu.memref_squeeze %dma_start3A_152 : memref<1x128xi32, #tpu.memory_space<vmem>> -> memref<128xi32, #tpu.memory_space<vmem>>
    %dma_start3A_154 = arith.constant 0 : i32
    %dma_start3A_155 = arith.constant 0 : i32
    %dma_start3A_156 = tpu.memref_slice %arg6[%dma_start3A_154, %dma_start3A_155] : memref<100000x128xf32, #tpu.memory_space<hbm>> -> memref<100000x128xf32, #tpu.memory_space<hbm>>
    tpu.enqueue_indirect_dma source(%dma_start3A_156 : memref<100000x128xf32, #tpu.memory_space<hbm>>) target(%dma_start3A_150 : memref<128x128xf32, #tpu.memory_space<vmem>>) offsets(%dma_start3A_153 : memref<128xi32, #tpu.memory_space<vmem>>) semaphore(%arg15 : memref<!tpu.dma_semaphore, #tpu.memory_space<semaphore_mem>>)
    %mul3A_157 = arith.constant 256 : i32
    %mul3A_158 = arith.muli %add3A, %mul3A_157 : i32
    %dma_start3A_159 = arith.constant 1 : i32
    %dma_start3A_160 = arith.constant 0 : i32
    %dma_start3A_161 = arith.constant 0 : i32
    %dma_start3A_162 = tpu.memref_slice %arg13[%dma_start3A_159, %dma_start3A_160, %dma_start3A_161] : memref<2x256x128xf32, #tpu.memory_space<vmem>> -> memref<1x256x128xf32, #tpu.memory_space<vmem>>
    %dma_start3A_163 = tpu.memref_squeeze %dma_start3A_162 : memref<1x256x128xf32, #tpu.memory_space<vmem>> -> memref<256x128xf32, #tpu.memory_space<vmem>>
    %dma_start3A_164 = arith.constant 0 : i32
    %dma_start3A_165 = tpu.memref_slice %arg9[%mul3A_158, %dma_start3A_164] : memref<8192x128xf32, #tpu.memory_space<hbm>> -> memref<256x128xf32, #tpu.memory_space<hbm>>
    %dma_start3A_166 = arith.constant 0 : i32
    %dma_start3A_167 = tpu.memref_slice %arg9[%mul3A_158, %dma_start3A_166] : memref<8192x128xf32, #tpu.memory_space<hbm>> -> memref<256x128xf32, #tpu.memory_space<hbm>>
    %dma_start3A_168 = arith.constant 0 : i32
    %dma_start3A_169 = arith.constant 0 : i32
    %dma_start3A_170 = tpu.memref_slice %arg13[%dma_start3A_159, %dma_start3A_168, %dma_start3A_169] : memref<2x256x128xf32, #tpu.memory_space<vmem>> -> memref<1x256x128xf32, #tpu.memory_space<vmem>>
    %dma_start3A_171 = tpu.memref_squeeze %dma_start3A_170 : memref<1x256x128xf32, #tpu.memory_space<vmem>> -> memref<256x128xf32, #tpu.memory_space<vmem>>
    tpu.enqueue_dma source(%dma_start3A_171 : memref<256x128xf32, #tpu.memory_space<vmem>>) target(%dma_start3A_167 : memref<256x128xf32, #tpu.memory_space<hbm>>) target_semaphore(%arg17 : memref<!tpu.dma_semaphore, #tpu.memory_space<semaphore_mem>>)
    %dma_wait3A_172 = arith.constant 4 : i32
    %dma_wait3A_173 = arith.constant 0 : i32
    %dma_wait3A_174 = arith.constant 0 : i32
    %dma_wait3A_175 = arith.constant 0 : i32
    %dma_wait3A_176 = tpu.memref_slice %arg13[%dma_wait3A_173, %dma_wait3A_174, %dma_wait3A_175] : memref<2x256x128xf32, #tpu.memory_space<vmem>> -> memref<1x128x128xf32, #tpu.memory_space<vmem>>
    %dma_wait3A_177 = tpu.memref_squeeze %dma_wait3A_176 : memref<1x128x128xf32, #tpu.memory_space<vmem>> -> memref<128x128xf32, #tpu.memory_space<vmem>>
    %dma_wait3A_178 = arith.constant 0 : i32
    %dma_wait3A_179 = tpu.memref_slice %arg12[%dma_wait3A_172, %dma_wait3A_178] : memref<8x128xi32, #tpu.memory_space<vmem>> -> memref<1x128xi32, #tpu.memory_space<vmem>>
    %dma_wait3A_180 = tpu.memref_squeeze %dma_wait3A_179 : memref<1x128xi32, #tpu.memory_space<vmem>> -> memref<128xi32, #tpu.memory_space<vmem>>
    %dma_wait3A_181 = arith.constant 0 : i32
    %dma_wait3A_182 = arith.constant 0 : i32
    %dma_wait3A_183 = tpu.memref_slice %arg6[%dma_wait3A_181, %dma_wait3A_182] : memref<100000x128xf32, #tpu.memory_space<hbm>> -> memref<100000x128xf32, #tpu.memory_space<hbm>>
    tpu.wait_indirect_dma semaphore(%arg15 : memref<!tpu.dma_semaphore, #tpu.memory_space<semaphore_mem>>) src(%dma_wait3A_183 : memref<100000x128xf32, #tpu.memory_space<hbm>>) dst(%dma_wait3A_177 : memref<128x128xf32, #tpu.memory_space<vmem>>)
    %dma_wait3A_184 = arith.constant 5 : i32
    %dma_wait3A_185 = arith.constant 0 : i32
    %dma_wait3A_186 = arith.constant 128 : i32
    %dma_wait3A_187 = arith.constant 0 : i32
    %dma_wait3A_188 = tpu.memref_slice %arg13[%dma_wait3A_185, %dma_wait3A_186, %dma_wait3A_187] : memref<2x256x128xf32, #tpu.memory_space<vmem>> -> memref<1x128x128xf32, #tpu.memory_space<vmem>>
    %dma_wait3A_189 = tpu.memref_squeeze %dma_wait3A_188 : memref<1x128x128xf32, #tpu.memory_space<vmem>> -> memref<128x128xf32, #tpu.memory_space<vmem>>
    %dma_wait3A_190 = arith.constant 0 : i32
    %dma_wait3A_191 = tpu.memref_slice %arg12[%dma_wait3A_184, %dma_wait3A_190] : memref<8x128xi32, #tpu.memory_space<vmem>> -> memref<1x128xi32, #tpu.memory_space<vmem>>
    %dma_wait3A_192 = tpu.memref_squeeze %dma_wait3A_191 : memref<1x128xi32, #tpu.memory_space<vmem>> -> memref<128xi32, #tpu.memory_space<vmem>>
    %dma_wait3A_193 = arith.constant 0 : i32
    %dma_wait3A_194 = arith.constant 0 : i32
    %dma_wait3A_195 = tpu.memref_slice %arg6[%dma_wait3A_193, %dma_wait3A_194] : memref<100000x128xf32, #tpu.memory_space<hbm>> -> memref<100000x128xf32, #tpu.memory_space<hbm>>
    tpu.wait_indirect_dma semaphore(%arg15 : memref<!tpu.dma_semaphore, #tpu.memory_space<semaphore_mem>>) src(%dma_wait3A_195 : memref<100000x128xf32, #tpu.memory_space<hbm>>) dst(%dma_wait3A_189 : memref<128x128xf32, #tpu.memory_space<vmem>>)
    %eq3A_196 = arith.constant 0 : i32
    %eq3A_197 = arith.cmpi eq, %arg1, %eq3A_196 : i32
    %convert_element_type3A_198 = arith.extui %eq3A_197 : i1 to i32
    %cond3A_199 = arith.constant 0 : i32
    %cond3A_200 = arith.cmpi ne, %convert_element_type3A_198, %cond3A_199 : i32
    scf.if %cond3A_200 {
      tpu.wait_dma2 semaphore(%arg18 : memref<!tpu.dma_semaphore, #tpu.memory_space<semaphore_mem>>) src(%arg7 : memref<1000x128xf32, #tpu.memory_space<hbm>>) dst(%arg14 : memref<1000x128xf32, #tpu.memory_space<vmem_shared>>)
    } else {
    }
    %barrier3A = arith.constant 0 : index
    tpu.barrier barrier_id(%barrier3A)
    %dma_wait3A_201 = arith.constant 1 : i32
    %dma_wait3A_202 = arith.constant 0 : i32
    %dma_wait3A_203 = arith.constant 0 : i32
    %dma_wait3A_204 = tpu.memref_slice %arg13[%dma_wait3A_201, %dma_wait3A_202, %dma_wait3A_203] : memref<2x256x128xf32, #tpu.memory_space<vmem>> -> memref<1x256x128xf32, #tpu.memory_space<vmem>>
    %dma_wait3A_205 = tpu.memref_squeeze %dma_wait3A_204 : memref<1x256x128xf32, #tpu.memory_space<vmem>> -> memref<256x128xf32, #tpu.memory_space<vmem>>
    %dma_wait3A_206 = arith.constant 0 : i32
    %dma_wait3A_207 = tpu.memref_slice %arg9[%mul3A_158, %dma_wait3A_206] : memref<8192x128xf32, #tpu.memory_space<hbm>> -> memref<256x128xf32, #tpu.memory_space<hbm>>
    %dma_wait3A_208 = arith.constant 0 : i32
    %dma_wait3A_209 = tpu.memref_slice %arg9[%mul3A_158, %dma_wait3A_208] : memref<8192x128xf32, #tpu.memory_space<hbm>> -> memref<256x128xf32, #tpu.memory_space<hbm>>
    %dma_wait3A_210 = arith.constant 0 : i32
    %dma_wait3A_211 = arith.constant 0 : i32
    %dma_wait3A_212 = tpu.memref_slice %arg13[%dma_wait3A_201, %dma_wait3A_210, %dma_wait3A_211] : memref<2x256x128xf32, #tpu.memory_space<vmem>> -> memref<1x256x128xf32, #tpu.memory_space<vmem>>
    %dma_wait3A_213 = tpu.memref_squeeze %dma_wait3A_212 : memref<1x256x128xf32, #tpu.memory_space<vmem>> -> memref<256x128xf32, #tpu.memory_space<vmem>>
    tpu.wait_dma2 semaphore(%arg17 : memref<!tpu.dma_semaphore, #tpu.memory_space<semaphore_mem>>) src(%dma_wait3A_213 : memref<256x128xf32, #tpu.memory_space<vmem>>) dst(%dma_wait3A_209 : memref<256x128xf32, #tpu.memory_space<hbm>>)
    %dma_start3A_214 = arith.constant 6 : i32
    %dma_start3A_215 = arith.constant 1 : i32
    %dma_start3A_216 = arith.constant 0 : i32
    %dma_start3A_217 = arith.constant 0 : i32
    %dma_start3A_218 = tpu.memref_slice %arg13[%dma_start3A_215, %dma_start3A_216, %dma_start3A_217] : memref<2x256x128xf32, #tpu.memory_space<vmem>> -> memref<1x128x128xf32, #tpu.memory_space<vmem>>
    %dma_start3A_219 = tpu.memref_squeeze %dma_start3A_218 : memref<1x128x128xf32, #tpu.memory_space<vmem>> -> memref<128x128xf32, #tpu.memory_space<vmem>>
    %dma_start3A_220 = arith.constant 0 : i32
    %dma_start3A_221 = tpu.memref_slice %arg12[%dma_start3A_214, %dma_start3A_220] : memref<8x128xi32, #tpu.memory_space<vmem>> -> memref<1x128xi32, #tpu.memory_space<vmem>>
    %dma_start3A_222 = tpu.memref_squeeze %dma_start3A_221 : memref<1x128xi32, #tpu.memory_space<vmem>> -> memref<128xi32, #tpu.memory_space<vmem>>
    %dma_start3A_223 = arith.constant 0 : i32
    %dma_start3A_224 = arith.constant 0 : i32
    %dma_start3A_225 = tpu.memref_slice %arg14[%dma_start3A_223, %dma_start3A_224] : memref<1000x128xf32, #tpu.memory_space<vmem_shared>> -> memref<1000x128xf32, #tpu.memory_space<vmem_shared>>
    tpu.enqueue_indirect_dma source(%dma_start3A_225 : memref<1000x128xf32, #tpu.memory_space<vmem_shared>>) target(%dma_start3A_219 : memref<128x128xf32, #tpu.memory_space<vmem>>) offsets(%dma_start3A_222 : memref<128xi32, #tpu.memory_space<vmem>>) semaphore(%arg15 : memref<!tpu.dma_semaphore, #tpu.memory_space<semaphore_mem>>)
    %dma_start3A_226 = arith.constant 7 : i32
    %dma_start3A_227 = arith.constant 1 : i32
    %dma_start3A_228 = arith.constant 128 : i32
    %dma_start3A_229 = arith.constant 0 : i32
    %dma_start3A_230 = tpu.memref_slice %arg13[%dma_start3A_227, %dma_start3A_228, %dma_start3A_229] : memref<2x256x128xf32, #tpu.memory_space<vmem>> -> memref<1x128x128xf32, #tpu.memory_space<vmem>>
    %dma_start3A_231 = tpu.memref_squeeze %dma_start3A_230 : memref<1x128x128xf32, #tpu.memory_space<vmem>> -> memref<128x128xf32, #tpu.memory_space<vmem>>
    %dma_start3A_232 = arith.constant 0 : i32
    %dma_start3A_233 = tpu.memref_slice %arg12[%dma_start3A_226, %dma_start3A_232] : memref<8x128xi32, #tpu.memory_space<vmem>> -> memref<1x128xi32, #tpu.memory_space<vmem>>
    %dma_start3A_234 = tpu.memref_squeeze %dma_start3A_233 : memref<1x128xi32, #tpu.memory_space<vmem>> -> memref<128xi32, #tpu.memory_space<vmem>>
    %dma_start3A_235 = arith.constant 0 : i32
    %dma_start3A_236 = arith.constant 0 : i32
    %dma_start3A_237 = tpu.memref_slice %arg14[%dma_start3A_235, %dma_start3A_236] : memref<1000x128xf32, #tpu.memory_space<vmem_shared>> -> memref<1000x128xf32, #tpu.memory_space<vmem_shared>>
    tpu.enqueue_indirect_dma source(%dma_start3A_237 : memref<1000x128xf32, #tpu.memory_space<vmem_shared>>) target(%dma_start3A_231 : memref<128x128xf32, #tpu.memory_space<vmem>>) offsets(%dma_start3A_234 : memref<128xi32, #tpu.memory_space<vmem>>) semaphore(%arg15 : memref<!tpu.dma_semaphore, #tpu.memory_space<semaphore_mem>>)
    %mul3A_238 = arith.constant 256 : i32
    %mul3A_239 = arith.muli %add3A, %mul3A_238 : i32
    %dma_start3A_240 = arith.constant 0 : i32
    %dma_start3A_241 = arith.constant 0 : i32
    %dma_start3A_242 = arith.constant 0 : i32
    %dma_start3A_243 = tpu.memref_slice %arg13[%dma_start3A_240, %dma_start3A_241, %dma_start3A_242] : memref<2x256x128xf32, #tpu.memory_space<vmem>> -> memref<1x256x128xf32, #tpu.memory_space<vmem>>
    %dma_start3A_244 = tpu.memref_squeeze %dma_start3A_243 : memref<1x256x128xf32, #tpu.memory_space<vmem>> -> memref<256x128xf32, #tpu.memory_space<vmem>>
    %dma_start3A_245 = arith.constant 0 : i32
    %dma_start3A_246 = tpu.memref_slice %arg10[%mul3A_239, %dma_start3A_245] : memref<8192x128xf32, #tpu.memory_space<hbm>> -> memref<256x128xf32, #tpu.memory_space<hbm>>
    %dma_start3A_247 = arith.constant 0 : i32
    %dma_start3A_248 = tpu.memref_slice %arg10[%mul3A_239, %dma_start3A_247] : memref<8192x128xf32, #tpu.memory_space<hbm>> -> memref<256x128xf32, #tpu.memory_space<hbm>>
    %dma_start3A_249 = arith.constant 0 : i32
    %dma_start3A_250 = arith.constant 0 : i32
    %dma_start3A_251 = tpu.memref_slice %arg13[%dma_start3A_240, %dma_start3A_249, %dma_start3A_250] : memref<2x256x128xf32, #tpu.memory_space<vmem>> -> memref<1x256x128xf32, #tpu.memory_space<vmem>>
    %dma_start3A_252 = tpu.memref_squeeze %dma_start3A_251 : memref<1x256x128xf32, #tpu.memory_space<vmem>> -> memref<256x128xf32, #tpu.memory_space<vmem>>
    tpu.enqueue_dma source(%dma_start3A_252 : memref<256x128xf32, #tpu.memory_space<vmem>>) target(%dma_start3A_248 : memref<256x128xf32, #tpu.memory_space<hbm>>) target_semaphore(%arg16 : memref<!tpu.dma_semaphore, #tpu.memory_space<semaphore_mem>>)
    %dma_wait3A_253 = arith.constant 6 : i32
    %dma_wait3A_254 = arith.constant 1 : i32
    %dma_wait3A_255 = arith.constant 0 : i32
    %dma_wait3A_256 = arith.constant 0 : i32
    %dma_wait3A_257 = tpu.memref_slice %arg13[%dma_wait3A_254, %dma_wait3A_255, %dma_wait3A_256] : memref<2x256x128xf32, #tpu.memory_space<vmem>> -> memref<1x128x128xf32, #tpu.memory_space<vmem>>
    %dma_wait3A_258 = tpu.memref_squeeze %dma_wait3A_257 : memref<1x128x128xf32, #tpu.memory_space<vmem>> -> memref<128x128xf32, #tpu.memory_space<vmem>>
    %dma_wait3A_259 = arith.constant 0 : i32
    %dma_wait3A_260 = tpu.memref_slice %arg12[%dma_wait3A_253, %dma_wait3A_259] : memref<8x128xi32, #tpu.memory_space<vmem>> -> memref<1x128xi32, #tpu.memory_space<vmem>>
    %dma_wait3A_261 = tpu.memref_squeeze %dma_wait3A_260 : memref<1x128xi32, #tpu.memory_space<vmem>> -> memref<128xi32, #tpu.memory_space<vmem>>
    %dma_wait3A_262 = arith.constant 0 : i32
    %dma_wait3A_263 = arith.constant 0 : i32
    %dma_wait3A_264 = tpu.memref_slice %arg14[%dma_wait3A_262, %dma_wait3A_263] : memref<1000x128xf32, #tpu.memory_space<vmem_shared>> -> memref<1000x128xf32, #tpu.memory_space<vmem_shared>>
    tpu.wait_indirect_dma semaphore(%arg15 : memref<!tpu.dma_semaphore, #tpu.memory_space<semaphore_mem>>) src(%dma_wait3A_264 : memref<1000x128xf32, #tpu.memory_space<vmem_shared>>) dst(%dma_wait3A_258 : memref<128x128xf32, #tpu.memory_space<vmem>>)
    %dma_wait3A_265 = arith.constant 7 : i32
    %dma_wait3A_266 = arith.constant 1 : i32
    %dma_wait3A_267 = arith.constant 128 : i32
    %dma_wait3A_268 = arith.constant 0 : i32
    %dma_wait3A_269 = tpu.memref_slice %arg13[%dma_wait3A_266, %dma_wait3A_267, %dma_wait3A_268] : memref<2x256x128xf32, #tpu.memory_space<vmem>> -> memref<1x128x128xf32, #tpu.memory_space<vmem>>
    %dma_wait3A_270 = tpu.memref_squeeze %dma_wait3A_269 : memref<1x128x128xf32, #tpu.memory_space<vmem>> -> memref<128x128xf32, #tpu.memory_space<vmem>>
    %dma_wait3A_271 = arith.constant 0 : i32
    %dma_wait3A_272 = tpu.memref_slice %arg12[%dma_wait3A_265, %dma_wait3A_271] : memref<8x128xi32, #tpu.memory_space<vmem>> -> memref<1x128xi32, #tpu.memory_space<vmem>>
    %dma_wait3A_273 = tpu.memref_squeeze %dma_wait3A_272 : memref<1x128xi32, #tpu.memory_space<vmem>> -> memref<128xi32, #tpu.memory_space<vmem>>
    %dma_wait3A_274 = arith.constant 0 : i32
    %dma_wait3A_275 = arith.constant 0 : i32
    %dma_wait3A_276 = tpu.memref_slice %arg14[%dma_wait3A_274, %dma_wait3A_275] : memref<1000x128xf32, #tpu.memory_space<vmem_shared>> -> memref<1000x128xf32, #tpu.memory_space<vmem_shared>>
    tpu.wait_indirect_dma semaphore(%arg15 : memref<!tpu.dma_semaphore, #tpu.memory_space<semaphore_mem>>) src(%dma_wait3A_276 : memref<1000x128xf32, #tpu.memory_space<vmem_shared>>) dst(%dma_wait3A_270 : memref<128x128xf32, #tpu.memory_space<vmem>>)
    %mul3A_277 = arith.constant 256 : i32
    %mul3A_278 = arith.muli %add3A, %mul3A_277 : i32
    %dma_start3A_279 = arith.constant 1 : i32
    %dma_start3A_280 = arith.constant 0 : i32
    %dma_start3A_281 = arith.constant 0 : i32
    %dma_start3A_282 = tpu.memref_slice %arg13[%dma_start3A_279, %dma_start3A_280, %dma_start3A_281] : memref<2x256x128xf32, #tpu.memory_space<vmem>> -> memref<1x256x128xf32, #tpu.memory_space<vmem>>
    %dma_start3A_283 = tpu.memref_squeeze %dma_start3A_282 : memref<1x256x128xf32, #tpu.memory_space<vmem>> -> memref<256x128xf32, #tpu.memory_space<vmem>>
    %dma_start3A_284 = arith.constant 0 : i32
    %dma_start3A_285 = tpu.memref_slice %arg11[%mul3A_278, %dma_start3A_284] : memref<8192x128xf32, #tpu.memory_space<hbm>> -> memref<256x128xf32, #tpu.memory_space<hbm>>
    %dma_start3A_286 = arith.constant 0 : i32
    %dma_start3A_287 = tpu.memref_slice %arg11[%mul3A_278, %dma_start3A_286] : memref<8192x128xf32, #tpu.memory_space<hbm>> -> memref<256x128xf32, #tpu.memory_space<hbm>>
    %dma_start3A_288 = arith.constant 0 : i32
    %dma_start3A_289 = arith.constant 0 : i32
    %dma_start3A_290 = tpu.memref_slice %arg13[%dma_start3A_279, %dma_start3A_288, %dma_start3A_289] : memref<2x256x128xf32, #tpu.memory_space<vmem>> -> memref<1x256x128xf32, #tpu.memory_space<vmem>>
    %dma_start3A_291 = tpu.memref_squeeze %dma_start3A_290 : memref<1x256x128xf32, #tpu.memory_space<vmem>> -> memref<256x128xf32, #tpu.memory_space<vmem>>
    tpu.enqueue_dma source(%dma_start3A_291 : memref<256x128xf32, #tpu.memory_space<vmem>>) target(%dma_start3A_287 : memref<256x128xf32, #tpu.memory_space<hbm>>) target_semaphore(%arg17 : memref<!tpu.dma_semaphore, #tpu.memory_space<semaphore_mem>>)
    %dma_wait3A_292 = arith.constant 0 : i32
    %dma_wait3A_293 = arith.constant 0 : i32
    %dma_wait3A_294 = arith.constant 0 : i32
    %dma_wait3A_295 = tpu.memref_slice %arg13[%dma_wait3A_292, %dma_wait3A_293, %dma_wait3A_294] : memref<2x256x128xf32, #tpu.memory_space<vmem>> -> memref<1x256x128xf32, #tpu.memory_space<vmem>>
    %dma_wait3A_296 = tpu.memref_squeeze %dma_wait3A_295 : memref<1x256x128xf32, #tpu.memory_space<vmem>> -> memref<256x128xf32, #tpu.memory_space<vmem>>
    %dma_wait3A_297 = arith.constant 0 : i32
    %dma_wait3A_298 = tpu.memref_slice %arg10[%mul3A_239, %dma_wait3A_297] : memref<8192x128xf32, #tpu.memory_space<hbm>> -> memref<256x128xf32, #tpu.memory_space<hbm>>
    %dma_wait3A_299 = arith.constant 0 : i32
    %dma_wait3A_300 = tpu.memref_slice %arg10[%mul3A_239, %dma_wait3A_299] : memref<8192x128xf32, #tpu.memory_space<hbm>> -> memref<256x128xf32, #tpu.memory_space<hbm>>
    %dma_wait3A_301 = arith.constant 0 : i32
    %dma_wait3A_302 = arith.constant 0 : i32
    %dma_wait3A_303 = tpu.memref_slice %arg13[%dma_wait3A_292, %dma_wait3A_301, %dma_wait3A_302] : memref<2x256x128xf32, #tpu.memory_space<vmem>> -> memref<1x256x128xf32, #tpu.memory_space<vmem>>
    %dma_wait3A_304 = tpu.memref_squeeze %dma_wait3A_303 : memref<1x256x128xf32, #tpu.memory_space<vmem>> -> memref<256x128xf32, #tpu.memory_space<vmem>>
    tpu.wait_dma2 semaphore(%arg16 : memref<!tpu.dma_semaphore, #tpu.memory_space<semaphore_mem>>) src(%dma_wait3A_304 : memref<256x128xf32, #tpu.memory_space<vmem>>) dst(%dma_wait3A_300 : memref<256x128xf32, #tpu.memory_space<hbm>>)
    %dma_wait3A_305 = arith.constant 1 : i32
    %dma_wait3A_306 = arith.constant 0 : i32
    %dma_wait3A_307 = arith.constant 0 : i32
    %dma_wait3A_308 = tpu.memref_slice %arg13[%dma_wait3A_305, %dma_wait3A_306, %dma_wait3A_307] : memref<2x256x128xf32, #tpu.memory_space<vmem>> -> memref<1x256x128xf32, #tpu.memory_space<vmem>>
    %dma_wait3A_309 = tpu.memref_squeeze %dma_wait3A_308 : memref<1x256x128xf32, #tpu.memory_space<vmem>> -> memref<256x128xf32, #tpu.memory_space<vmem>>
    %dma_wait3A_310 = arith.constant 0 : i32
    %dma_wait3A_311 = tpu.memref_slice %arg11[%mul3A_278, %dma_wait3A_310] : memref<8192x128xf32, #tpu.memory_space<hbm>> -> memref<256x128xf32, #tpu.memory_space<hbm>>
    %dma_wait3A_312 = arith.constant 0 : i32
    %dma_wait3A_313 = tpu.memref_slice %arg11[%mul3A_278, %dma_wait3A_312] : memref<8192x128xf32, #tpu.memory_space<hbm>> -> memref<256x128xf32, #tpu.memory_space<hbm>>
    %dma_wait3A_314 = arith.constant 0 : i32
    %dma_wait3A_315 = arith.constant 0 : i32
    %dma_wait3A_316 = tpu.memref_slice %arg13[%dma_wait3A_305, %dma_wait3A_314, %dma_wait3A_315] : memref<2x256x128xf32, #tpu.memory_space<vmem>> -> memref<1x256x128xf32, #tpu.memory_space<vmem>>
    %dma_wait3A_317 = tpu.memref_squeeze %dma_wait3A_316 : memref<1x256x128xf32, #tpu.memory_space<vmem>> -> memref<256x128xf32, #tpu.memory_space<vmem>>
    tpu.wait_dma2 semaphore(%arg17 : memref<!tpu.dma_semaphore, #tpu.memory_space<semaphore_mem>>) src(%dma_wait3A_317 : memref<256x128xf32, #tpu.memory_space<vmem>>) dst(%dma_wait3A_313 : memref<256x128xf32, #tpu.memory_space<hbm>>)
    return
  }
}

#map = affine_map<(d0, d1) -> (0, 0, 0)>
#map1 = affine_map<(d0, d1) -> (0, 0)>
module attributes {stable_mosaic.version = 14 : i64} {
  func.func @_gather_body(%arg0: i32, %arg1: i32, %arg2: memref<64x2x128xi32, #tpu.memory_space<hbm>>, %arg3: memref<64x2x128xi32, #tpu.memory_space<hbm>>, %arg4: memref<64x2x128xi32, #tpu.memory_space<hbm>>, %arg5: memref<64x2x128xi32, #tpu.memory_space<hbm>>, %arg6: memref<100000x128xf32, #tpu.memory_space<hbm>>, %arg7: memref<1000x128xf32, #tpu.memory_space<hbm>>, %arg8: memref<8192x128xf32, #tpu.memory_space<hbm>>, %arg9: memref<8192x128xf32, #tpu.memory_space<hbm>>, %arg10: memref<8192x128xf32, #tpu.memory_space<hbm>>, %arg11: memref<8192x128xf32, #tpu.memory_space<hbm>>, %arg12: memref<8x128xi32, #tpu.memory_space<vmem>>, %arg13: memref<2x256x128xf32, #tpu.memory_space<vmem>>, %arg14: memref<1000x128xf32, #tpu.memory_space<vmem_shared>>, %arg15: memref<!tpu.dma_semaphore, #tpu.memory_space<semaphore_mem>>, %arg16: memref<!tpu.dma_semaphore, #tpu.memory_space<semaphore_mem>>, %arg17: memref<!tpu.dma_semaphore, #tpu.memory_space<semaphore_mem>>, %arg18: memref<!tpu.dma_semaphore, #tpu.memory_space<semaphore_mem>>) attributes {dimension_semantics = [#tpu.dimension_semantics<core_parallel>, #tpu.dimension_semantics<subcore_parallel>], iteration_bounds = array<i64: 2, 16>, scalar_prefetch = 0 : i64, scratch_operands = 7 : i64, tpu.core_type = #tpu.core_type<sc_vector_subcore>, window_params = [{transform_indices = #map}, {transform_indices = #map}, {transform_indices = #map}, {transform_indices = #map}, {transform_indices = #map1}, {transform_indices = #map1}, {transform_indices = #map1}, {transform_indices = #map1}, {transform_indices = #map1}, {transform_indices = #map1}]} {
    %mul3A = arith.constant 2 : i32
    %mul3A_0 = arith.muli %arg1, %mul3A : i32
    %add3A = arith.addi %mul3A_0, %arg0 : i32
    %eq3A = arith.constant 0 : i32
    %eq3A_1 = arith.cmpi eq, %arg1, %eq3A : i32
    %convert_element_type3A = arith.extui %eq3A_1 : i1 to i32
    %cond3A = arith.constant 0 : i32
    %cond3A_2 = arith.cmpi ne, %convert_element_type3A, %cond3A : i32
    scf.if %cond3A_2 {
      tpu.enqueue_dma source(%arg7 : memref<1000x128xf32, #tpu.memory_space<hbm>>) target(%arg14 : memref<1000x128xf32, #tpu.memory_space<vmem_shared>>) target_semaphore(%arg18 : memref<!tpu.dma_semaphore, #tpu.memory_space<semaphore_mem>>)
    } else {
    }
    %add3A_3 = arith.constant 0 : i32
    %add3A_4 = arith.addi %add3A_3, %add3A : i32
    "tpu.region"() ({
      %run_scoped3A = tpu.sem_alloc : memref<!tpu.dma_semaphore, #tpu.memory_space<semaphore_mem>>
      %dma_start3A_318 = arith.constant 0 : i32
      %dma_start3A_319 = arith.constant 0 : i32
      %dma_start3A_320 = tpu.memref_slice %arg12[%dma_start3A_318, %dma_start3A_319] : memref<8x128xi32, #tpu.memory_space<vmem>> -> memref<2x128xi32, #tpu.memory_space<vmem>>
      %dma_start3A_321 = arith.constant 0 : i32
      %dma_start3A_322 = arith.constant 0 : i32
      %dma_start3A_323 = tpu.memref_slice %arg2[%add3A_4, %dma_start3A_321, %dma_start3A_322] : memref<64x2x128xi32, #tpu.memory_space<hbm>> -> memref<1x2x128xi32, #tpu.memory_space<hbm>>
      %dma_start3A_324 = tpu.memref_squeeze %dma_start3A_323 : memref<1x2x128xi32, #tpu.memory_space<hbm>> -> memref<2x128xi32, #tpu.memory_space<hbm>>
      %dma_start3A_325 = arith.constant 0 : i32
      %dma_start3A_326 = arith.constant 0 : i32
      %dma_start3A_327 = tpu.memref_slice %arg12[%dma_start3A_325, %dma_start3A_326] : memref<8x128xi32, #tpu.memory_space<vmem>> -> memref<2x128xi32, #tpu.memory_space<vmem>>
      %dma_start3A_328 = arith.constant 0 : i32
      %dma_start3A_329 = arith.constant 0 : i32
      %dma_start3A_330 = tpu.memref_slice %arg2[%add3A_4, %dma_start3A_328, %dma_start3A_329] : memref<64x2x128xi32, #tpu.memory_space<hbm>> -> memref<1x2x128xi32, #tpu.memory_space<hbm>>
      %dma_start3A_331 = tpu.memref_squeeze %dma_start3A_330 : memref<1x2x128xi32, #tpu.memory_space<hbm>> -> memref<2x128xi32, #tpu.memory_space<hbm>>
      tpu.enqueue_dma source(%dma_start3A_331 : memref<2x128xi32, #tpu.memory_space<hbm>>) target(%dma_start3A_327 : memref<2x128xi32, #tpu.memory_space<vmem>>) target_semaphore(%run_scoped3A : memref<!tpu.dma_semaphore, #tpu.memory_space<semaphore_mem>>)
      %dma_wait3A_332 = arith.constant 0 : i32
      %dma_wait3A_333 = arith.constant 0 : i32
      %dma_wait3A_334 = tpu.memref_slice %arg12[%dma_wait3A_332, %dma_wait3A_333] : memref<8x128xi32, #tpu.memory_space<vmem>> -> memref<2x128xi32, #tpu.memory_space<vmem>>
      %dma_wait3A_335 = arith.constant 0 : i32
      %dma_wait3A_336 = arith.constant 0 : i32
      %dma_wait3A_337 = tpu.memref_slice %arg2[%add3A_4, %dma_wait3A_335, %dma_wait3A_336] : memref<64x2x128xi32, #tpu.memory_space<hbm>> -> memref<1x2x128xi32, #tpu.memory_space<hbm>>
      %dma_wait3A_338 = tpu.memref_squeeze %dma_wait3A_337 : memref<1x2x128xi32, #tpu.memory_space<hbm>> -> memref<2x128xi32, #tpu.memory_space<hbm>>
      %dma_wait3A_339 = arith.constant 0 : i32
      %dma_wait3A_340 = arith.constant 0 : i32
      %dma_wait3A_341 = tpu.memref_slice %arg12[%dma_wait3A_339, %dma_wait3A_340] : memref<8x128xi32, #tpu.memory_space<vmem>> -> memref<2x128xi32, #tpu.memory_space<vmem>>
      %dma_wait3A_342 = arith.constant 0 : i32
      %dma_wait3A_343 = arith.constant 0 : i32
      %dma_wait3A_344 = tpu.memref_slice %arg2[%add3A_4, %dma_wait3A_342, %dma_wait3A_343] : memref<64x2x128xi32, #tpu.memory_space<hbm>> -> memref<1x2x128xi32, #tpu.memory_space<hbm>>
      %dma_wait3A_345 = tpu.memref_squeeze %dma_wait3A_344 : memref<1x2x128xi32, #tpu.memory_space<hbm>> -> memref<2x128xi32, #tpu.memory_space<hbm>>
      tpu.wait_dma2 semaphore(%run_scoped3A : memref<!tpu.dma_semaphore, #tpu.memory_space<semaphore_mem>>) src(%dma_wait3A_345 : memref<2x128xi32, #tpu.memory_space<hbm>>) dst(%dma_wait3A_341 : memref<2x128xi32, #tpu.memory_space<vmem>>)
      tpu.yield
    }) : () -> ()
    %add3A_5 = arith.constant 0 : i32
    %add3A_6 = arith.addi %add3A_5, %add3A : i32
    "tpu.region"() ({
      %run_scoped3A = tpu.sem_alloc : memref<!tpu.dma_semaphore, #tpu.memory_space<semaphore_mem>>
      %dma_start3A_318 = arith.constant 2 : i32
      %dma_start3A_319 = arith.constant 0 : i32
      %dma_start3A_320 = tpu.memref_slice %arg12[%dma_start3A_318, %dma_start3A_319] : memref<8x128xi32, #tpu.memory_space<vmem>> -> memref<2x128xi32, #tpu.memory_space<vmem>>
      %dma_start3A_321 = arith.constant 0 : i32
      %dma_start3A_322 = arith.constant 0 : i32
      %dma_start3A_323 = tpu.memref_slice %arg3[%add3A_6, %dma_start3A_321, %dma_start3A_322] : memref<64x2x128xi32, #tpu.memory_space<hbm>> -> memref<1x2x128xi32, #tpu.memory_space<hbm>>
      %dma_start3A_324 = tpu.memref_squeeze %dma_start3A_323 : memref<1x2x128xi32, #tpu.memory_space<hbm>> -> memref<2x128xi32, #tpu.memory_space<hbm>>
      %dma_start3A_325 = arith.constant 2 : i32
      %dma_start3A_326 = arith.constant 0 : i32
      %dma_start3A_327 = tpu.memref_slice %arg12[%dma_start3A_325, %dma_start3A_326] : memref<8x128xi32, #tpu.memory_space<vmem>> -> memref<2x128xi32, #tpu.memory_space<vmem>>
      %dma_start3A_328 = arith.constant 0 : i32
      %dma_start3A_329 = arith.constant 0 : i32
      %dma_start3A_330 = tpu.memref_slice %arg3[%add3A_6, %dma_start3A_328, %dma_start3A_329] : memref<64x2x128xi32, #tpu.memory_space<hbm>> -> memref<1x2x128xi32, #tpu.memory_space<hbm>>
      %dma_start3A_331 = tpu.memref_squeeze %dma_start3A_330 : memref<1x2x128xi32, #tpu.memory_space<hbm>> -> memref<2x128xi32, #tpu.memory_space<hbm>>
      tpu.enqueue_dma source(%dma_start3A_331 : memref<2x128xi32, #tpu.memory_space<hbm>>) target(%dma_start3A_327 : memref<2x128xi32, #tpu.memory_space<vmem>>) target_semaphore(%run_scoped3A : memref<!tpu.dma_semaphore, #tpu.memory_space<semaphore_mem>>)
      %dma_wait3A_332 = arith.constant 2 : i32
      %dma_wait3A_333 = arith.constant 0 : i32
      %dma_wait3A_334 = tpu.memref_slice %arg12[%dma_wait3A_332, %dma_wait3A_333] : memref<8x128xi32, #tpu.memory_space<vmem>> -> memref<2x128xi32, #tpu.memory_space<vmem>>
      %dma_wait3A_335 = arith.constant 0 : i32
      %dma_wait3A_336 = arith.constant 0 : i32
      %dma_wait3A_337 = tpu.memref_slice %arg3[%add3A_6, %dma_wait3A_335, %dma_wait3A_336] : memref<64x2x128xi32, #tpu.memory_space<hbm>> -> memref<1x2x128xi32, #tpu.memory_space<hbm>>
      %dma_wait3A_338 = tpu.memref_squeeze %dma_wait3A_337 : memref<1x2x128xi32, #tpu.memory_space<hbm>> -> memref<2x128xi32, #tpu.memory_space<hbm>>
      %dma_wait3A_339 = arith.constant 2 : i32
      %dma_wait3A_340 = arith.constant 0 : i32
      %dma_wait3A_341 = tpu.memref_slice %arg12[%dma_wait3A_339, %dma_wait3A_340] : memref<8x128xi32, #tpu.memory_space<vmem>> -> memref<2x128xi32, #tpu.memory_space<vmem>>
      %dma_wait3A_342 = arith.constant 0 : i32
      %dma_wait3A_343 = arith.constant 0 : i32
      %dma_wait3A_344 = tpu.memref_slice %arg3[%add3A_6, %dma_wait3A_342, %dma_wait3A_343] : memref<64x2x128xi32, #tpu.memory_space<hbm>> -> memref<1x2x128xi32, #tpu.memory_space<hbm>>
      %dma_wait3A_345 = tpu.memref_squeeze %dma_wait3A_344 : memref<1x2x128xi32, #tpu.memory_space<hbm>> -> memref<2x128xi32, #tpu.memory_space<hbm>>
      tpu.wait_dma2 semaphore(%run_scoped3A : memref<!tpu.dma_semaphore, #tpu.memory_space<semaphore_mem>>) src(%dma_wait3A_345 : memref<2x128xi32, #tpu.memory_space<hbm>>) dst(%dma_wait3A_341 : memref<2x128xi32, #tpu.memory_space<vmem>>)
      tpu.yield
    }) : () -> ()
    %add3A_7 = arith.constant 0 : i32
    %add3A_8 = arith.addi %add3A_7, %add3A : i32
    "tpu.region"() ({
      %run_scoped3A = tpu.sem_alloc : memref<!tpu.dma_semaphore, #tpu.memory_space<semaphore_mem>>
      %dma_start3A_318 = arith.constant 4 : i32
      %dma_start3A_319 = arith.constant 0 : i32
      %dma_start3A_320 = tpu.memref_slice %arg12[%dma_start3A_318, %dma_start3A_319] : memref<8x128xi32, #tpu.memory_space<vmem>> -> memref<2x128xi32, #tpu.memory_space<vmem>>
      %dma_start3A_321 = arith.constant 0 : i32
      %dma_start3A_322 = arith.constant 0 : i32
      %dma_start3A_323 = tpu.memref_slice %arg4[%add3A_8, %dma_start3A_321, %dma_start3A_322] : memref<64x2x128xi32, #tpu.memory_space<hbm>> -> memref<1x2x128xi32, #tpu.memory_space<hbm>>
      %dma_start3A_324 = tpu.memref_squeeze %dma_start3A_323 : memref<1x2x128xi32, #tpu.memory_space<hbm>> -> memref<2x128xi32, #tpu.memory_space<hbm>>
      %dma_start3A_325 = arith.constant 4 : i32
      %dma_start3A_326 = arith.constant 0 : i32
      %dma_start3A_327 = tpu.memref_slice %arg12[%dma_start3A_325, %dma_start3A_326] : memref<8x128xi32, #tpu.memory_space<vmem>> -> memref<2x128xi32, #tpu.memory_space<vmem>>
      %dma_start3A_328 = arith.constant 0 : i32
      %dma_start3A_329 = arith.constant 0 : i32
      %dma_start3A_330 = tpu.memref_slice %arg4[%add3A_8, %dma_start3A_328, %dma_start3A_329] : memref<64x2x128xi32, #tpu.memory_space<hbm>> -> memref<1x2x128xi32, #tpu.memory_space<hbm>>
      %dma_start3A_331 = tpu.memref_squeeze %dma_start3A_330 : memref<1x2x128xi32, #tpu.memory_space<hbm>> -> memref<2x128xi32, #tpu.memory_space<hbm>>
      tpu.enqueue_dma source(%dma_start3A_331 : memref<2x128xi32, #tpu.memory_space<hbm>>) target(%dma_start3A_327 : memref<2x128xi32, #tpu.memory_space<vmem>>) target_semaphore(%run_scoped3A : memref<!tpu.dma_semaphore, #tpu.memory_space<semaphore_mem>>)
      %dma_wait3A_332 = arith.constant 4 : i32
      %dma_wait3A_333 = arith.constant 0 : i32
      %dma_wait3A_334 = tpu.memref_slice %arg12[%dma_wait3A_332, %dma_wait3A_333] : memref<8x128xi32, #tpu.memory_space<vmem>> -> memref<2x128xi32, #tpu.memory_space<vmem>>
      %dma_wait3A_335 = arith.constant 0 : i32
      %dma_wait3A_336 = arith.constant 0 : i32
      %dma_wait3A_337 = tpu.memref_slice %arg4[%add3A_8, %dma_wait3A_335, %dma_wait3A_336] : memref<64x2x128xi32, #tpu.memory_space<hbm>> -> memref<1x2x128xi32, #tpu.memory_space<hbm>>
      %dma_wait3A_338 = tpu.memref_squeeze %dma_wait3A_337 : memref<1x2x128xi32, #tpu.memory_space<hbm>> -> memref<2x128xi32, #tpu.memory_space<hbm>>
      %dma_wait3A_339 = arith.constant 4 : i32
      %dma_wait3A_340 = arith.constant 0 : i32
      %dma_wait3A_341 = tpu.memref_slice %arg12[%dma_wait3A_339, %dma_wait3A_340] : memref<8x128xi32, #tpu.memory_space<vmem>> -> memref<2x128xi32, #tpu.memory_space<vmem>>
      %dma_wait3A_342 = arith.constant 0 : i32
      %dma_wait3A_343 = arith.constant 0 : i32
      %dma_wait3A_344 = tpu.memref_slice %arg4[%add3A_8, %dma_wait3A_342, %dma_wait3A_343] : memref<64x2x128xi32, #tpu.memory_space<hbm>> -> memref<1x2x128xi32, #tpu.memory_space<hbm>>
      %dma_wait3A_345 = tpu.memref_squeeze %dma_wait3A_344 : memref<1x2x128xi32, #tpu.memory_space<hbm>> -> memref<2x128xi32, #tpu.memory_space<hbm>>
      tpu.wait_dma2 semaphore(%run_scoped3A : memref<!tpu.dma_semaphore, #tpu.memory_space<semaphore_mem>>) src(%dma_wait3A_345 : memref<2x128xi32, #tpu.memory_space<hbm>>) dst(%dma_wait3A_341 : memref<2x128xi32, #tpu.memory_space<vmem>>)
      tpu.yield
    }) : () -> ()
    %add3A_9 = arith.constant 0 : i32
    %add3A_10 = arith.addi %add3A_9, %add3A : i32
    "tpu.region"() ({
      %run_scoped3A = tpu.sem_alloc : memref<!tpu.dma_semaphore, #tpu.memory_space<semaphore_mem>>
      %dma_start3A_318 = arith.constant 6 : i32
      %dma_start3A_319 = arith.constant 0 : i32
      %dma_start3A_320 = tpu.memref_slice %arg12[%dma_start3A_318, %dma_start3A_319] : memref<8x128xi32, #tpu.memory_space<vmem>> -> memref<2x128xi32, #tpu.memory_space<vmem>>
      %dma_start3A_321 = arith.constant 0 : i32
      %dma_start3A_322 = arith.constant 0 : i32
      %dma_start3A_323 = tpu.memref_slice %arg5[%add3A_10, %dma_start3A_321, %dma_start3A_322] : memref<64x2x128xi32, #tpu.memory_space<hbm>> -> memref<1x2x128xi32, #tpu.memory_space<hbm>>
      %dma_start3A_324 = tpu.memref_squeeze %dma_start3A_323 : memref<1x2x128xi32, #tpu.memory_space<hbm>> -> memref<2x128xi32, #tpu.memory_space<hbm>>
      %dma_start3A_325 = arith.constant 6 : i32
      %dma_start3A_326 = arith.constant 0 : i32
      %dma_start3A_327 = tpu.memref_slice %arg12[%dma_start3A_325, %dma_start3A_326] : memref<8x128xi32, #tpu.memory_space<vmem>> -> memref<2x128xi32, #tpu.memory_space<vmem>>
      %dma_start3A_328 = arith.constant 0 : i32
      %dma_start3A_329 = arith.constant 0 : i32
      %dma_start3A_330 = tpu.memref_slice %arg5[%add3A_10, %dma_start3A_328, %dma_start3A_329] : memref<64x2x128xi32, #tpu.memory_space<hbm>> -> memref<1x2x128xi32, #tpu.memory_space<hbm>>
      %dma_start3A_331 = tpu.memref_squeeze %dma_start3A_330 : memref<1x2x128xi32, #tpu.memory_space<hbm>> -> memref<2x128xi32, #tpu.memory_space<hbm>>
      tpu.enqueue_dma source(%dma_start3A_331 : memref<2x128xi32, #tpu.memory_space<hbm>>) target(%dma_start3A_327 : memref<2x128xi32, #tpu.memory_space<vmem>>) target_semaphore(%run_scoped3A : memref<!tpu.dma_semaphore, #tpu.memory_space<semaphore_mem>>)
      %dma_wait3A_332 = arith.constant 6 : i32
      %dma_wait3A_333 = arith.constant 0 : i32
      %dma_wait3A_334 = tpu.memref_slice %arg12[%dma_wait3A_332, %dma_wait3A_333] : memref<8x128xi32, #tpu.memory_space<vmem>> -> memref<2x128xi32, #tpu.memory_space<vmem>>
      %dma_wait3A_335 = arith.constant 0 : i32
      %dma_wait3A_336 = arith.constant 0 : i32
      %dma_wait3A_337 = tpu.memref_slice %arg5[%add3A_10, %dma_wait3A_335, %dma_wait3A_336] : memref<64x2x128xi32, #tpu.memory_space<hbm>> -> memref<1x2x128xi32, #tpu.memory_space<hbm>>
      %dma_wait3A_338 = tpu.memref_squeeze %dma_wait3A_337 : memref<1x2x128xi32, #tpu.memory_space<hbm>> -> memref<2x128xi32, #tpu.memory_space<hbm>>
      %dma_wait3A_339 = arith.constant 6 : i32
      %dma_wait3A_340 = arith.constant 0 : i32
      %dma_wait3A_341 = tpu.memref_slice %arg12[%dma_wait3A_339, %dma_wait3A_340] : memref<8x128xi32, #tpu.memory_space<vmem>> -> memref<2x128xi32, #tpu.memory_space<vmem>>
      %dma_wait3A_342 = arith.constant 0 : i32
      %dma_wait3A_343 = arith.constant 0 : i32
      %dma_wait3A_344 = tpu.memref_slice %arg5[%add3A_10, %dma_wait3A_342, %dma_wait3A_343] : memref<64x2x128xi32, #tpu.memory_space<hbm>> -> memref<1x2x128xi32, #tpu.memory_space<hbm>>
      %dma_wait3A_345 = tpu.memref_squeeze %dma_wait3A_344 : memref<1x2x128xi32, #tpu.memory_space<hbm>> -> memref<2x128xi32, #tpu.memory_space<hbm>>
      tpu.wait_dma2 semaphore(%run_scoped3A : memref<!tpu.dma_semaphore, #tpu.memory_space<semaphore_mem>>) src(%dma_wait3A_345 : memref<2x128xi32, #tpu.memory_space<hbm>>) dst(%dma_wait3A_341 : memref<2x128xi32, #tpu.memory_space<vmem>>)
      tpu.yield
    }) : () -> ()
    %dma_start3A = arith.constant 0 : i32
    %dma_start3A_11 = arith.constant 0 : i32
    %dma_start3A_12 = arith.constant 0 : i32
    %dma_start3A_13 = arith.constant 0 : i32
    %dma_start3A_14 = tpu.memref_slice %arg13[%dma_start3A_11, %dma_start3A_12, %dma_start3A_13] : memref<2x256x128xf32, #tpu.memory_space<vmem>> -> memref<1x128x128xf32, #tpu.memory_space<vmem>>
    %dma_start3A_15 = tpu.memref_squeeze %dma_start3A_14 : memref<1x128x128xf32, #tpu.memory_space<vmem>> -> memref<128x128xf32, #tpu.memory_space<vmem>>
    %dma_start3A_16 = arith.constant 0 : i32
    %dma_start3A_17 = tpu.memref_slice %arg12[%dma_start3A, %dma_start3A_16] : memref<8x128xi32, #tpu.memory_space<vmem>> -> memref<1x128xi32, #tpu.memory_space<vmem>>
    %dma_start3A_18 = tpu.memref_squeeze %dma_start3A_17 : memref<1x128xi32, #tpu.memory_space<vmem>> -> memref<128xi32, #tpu.memory_space<vmem>>
    %dma_start3A_19 = arith.constant 0 : i32
    %dma_start3A_20 = arith.constant 0 : i32
    %dma_start3A_21 = tpu.memref_slice %arg6[%dma_start3A_19, %dma_start3A_20] : memref<100000x128xf32, #tpu.memory_space<hbm>> -> memref<100000x128xf32, #tpu.memory_space<hbm>>
    tpu.enqueue_indirect_dma source(%dma_start3A_21 : memref<100000x128xf32, #tpu.memory_space<hbm>>) target(%dma_start3A_15 : memref<128x128xf32, #tpu.memory_space<vmem>>) offsets(%dma_start3A_18 : memref<128xi32, #tpu.memory_space<vmem>>) semaphore(%arg15 : memref<!tpu.dma_semaphore, #tpu.memory_space<semaphore_mem>>)
    %dma_start3A_22 = arith.constant 1 : i32
    %dma_start3A_23 = arith.constant 0 : i32
    %dma_start3A_24 = arith.constant 128 : i32
    %dma_start3A_25 = arith.constant 0 : i32
    %dma_start3A_26 = tpu.memref_slice %arg13[%dma_start3A_23, %dma_start3A_24, %dma_start3A_25] : memref<2x256x128xf32, #tpu.memory_space<vmem>> -> memref<1x128x128xf32, #tpu.memory_space<vmem>>
    %dma_start3A_27 = tpu.memref_squeeze %dma_start3A_26 : memref<1x128x128xf32, #tpu.memory_space<vmem>> -> memref<128x128xf32, #tpu.memory_space<vmem>>
    %dma_start3A_28 = arith.constant 0 : i32
    %dma_start3A_29 = tpu.memref_slice %arg12[%dma_start3A_22, %dma_start3A_28] : memref<8x128xi32, #tpu.memory_space<vmem>> -> memref<1x128xi32, #tpu.memory_space<vmem>>
    %dma_start3A_30 = tpu.memref_squeeze %dma_start3A_29 : memref<1x128xi32, #tpu.memory_space<vmem>> -> memref<128xi32, #tpu.memory_space<vmem>>
    %dma_start3A_31 = arith.constant 0 : i32
    %dma_start3A_32 = arith.constant 0 : i32
    %dma_start3A_33 = tpu.memref_slice %arg6[%dma_start3A_31, %dma_start3A_32] : memref<100000x128xf32, #tpu.memory_space<hbm>> -> memref<100000x128xf32, #tpu.memory_space<hbm>>
    tpu.enqueue_indirect_dma source(%dma_start3A_33 : memref<100000x128xf32, #tpu.memory_space<hbm>>) target(%dma_start3A_27 : memref<128x128xf32, #tpu.memory_space<vmem>>) offsets(%dma_start3A_30 : memref<128xi32, #tpu.memory_space<vmem>>) semaphore(%arg15 : memref<!tpu.dma_semaphore, #tpu.memory_space<semaphore_mem>>)
    %dma_wait3A = arith.constant 0 : i32
    %dma_wait3A_34 = arith.constant 0 : i32
    %dma_wait3A_35 = arith.constant 0 : i32
    %dma_wait3A_36 = arith.constant 0 : i32
    %dma_wait3A_37 = tpu.memref_slice %arg13[%dma_wait3A_34, %dma_wait3A_35, %dma_wait3A_36] : memref<2x256x128xf32, #tpu.memory_space<vmem>> -> memref<1x128x128xf32, #tpu.memory_space<vmem>>
    %dma_wait3A_38 = tpu.memref_squeeze %dma_wait3A_37 : memref<1x128x128xf32, #tpu.memory_space<vmem>> -> memref<128x128xf32, #tpu.memory_space<vmem>>
    %dma_wait3A_39 = arith.constant 0 : i32
    %dma_wait3A_40 = tpu.memref_slice %arg12[%dma_wait3A, %dma_wait3A_39] : memref<8x128xi32, #tpu.memory_space<vmem>> -> memref<1x128xi32, #tpu.memory_space<vmem>>
    %dma_wait3A_41 = tpu.memref_squeeze %dma_wait3A_40 : memref<1x128xi32, #tpu.memory_space<vmem>> -> memref<128xi32, #tpu.memory_space<vmem>>
    %dma_wait3A_42 = arith.constant 0 : i32
    %dma_wait3A_43 = arith.constant 0 : i32
    %dma_wait3A_44 = tpu.memref_slice %arg6[%dma_wait3A_42, %dma_wait3A_43] : memref<100000x128xf32, #tpu.memory_space<hbm>> -> memref<100000x128xf32, #tpu.memory_space<hbm>>
    tpu.wait_indirect_dma semaphore(%arg15 : memref<!tpu.dma_semaphore, #tpu.memory_space<semaphore_mem>>) src(%dma_wait3A_44 : memref<100000x128xf32, #tpu.memory_space<hbm>>) dst(%dma_wait3A_38 : memref<128x128xf32, #tpu.memory_space<vmem>>)
    %dma_wait3A_45 = arith.constant 1 : i32
    %dma_wait3A_46 = arith.constant 0 : i32
    %dma_wait3A_47 = arith.constant 128 : i32
    %dma_wait3A_48 = arith.constant 0 : i32
    %dma_wait3A_49 = tpu.memref_slice %arg13[%dma_wait3A_46, %dma_wait3A_47, %dma_wait3A_48] : memref<2x256x128xf32, #tpu.memory_space<vmem>> -> memref<1x128x128xf32, #tpu.memory_space<vmem>>
    %dma_wait3A_50 = tpu.memref_squeeze %dma_wait3A_49 : memref<1x128x128xf32, #tpu.memory_space<vmem>> -> memref<128x128xf32, #tpu.memory_space<vmem>>
    %dma_wait3A_51 = arith.constant 0 : i32
    %dma_wait3A_52 = tpu.memref_slice %arg12[%dma_wait3A_45, %dma_wait3A_51] : memref<8x128xi32, #tpu.memory_space<vmem>> -> memref<1x128xi32, #tpu.memory_space<vmem>>
    %dma_wait3A_53 = tpu.memref_squeeze %dma_wait3A_52 : memref<1x128xi32, #tpu.memory_space<vmem>> -> memref<128xi32, #tpu.memory_space<vmem>>
    %dma_wait3A_54 = arith.constant 0 : i32
    %dma_wait3A_55 = arith.constant 0 : i32
    %dma_wait3A_56 = tpu.memref_slice %arg6[%dma_wait3A_54, %dma_wait3A_55] : memref<100000x128xf32, #tpu.memory_space<hbm>> -> memref<100000x128xf32, #tpu.memory_space<hbm>>
    tpu.wait_indirect_dma semaphore(%arg15 : memref<!tpu.dma_semaphore, #tpu.memory_space<semaphore_mem>>) src(%dma_wait3A_56 : memref<100000x128xf32, #tpu.memory_space<hbm>>) dst(%dma_wait3A_50 : memref<128x128xf32, #tpu.memory_space<vmem>>)
    %dma_start3A_57 = arith.constant 2 : i32
    %dma_start3A_58 = arith.constant 1 : i32
    %dma_start3A_59 = arith.constant 0 : i32
    %dma_start3A_60 = arith.constant 0 : i32
    %dma_start3A_61 = tpu.memref_slice %arg13[%dma_start3A_58, %dma_start3A_59, %dma_start3A_60] : memref<2x256x128xf32, #tpu.memory_space<vmem>> -> memref<1x128x128xf32, #tpu.memory_space<vmem>>
    %dma_start3A_62 = tpu.memref_squeeze %dma_start3A_61 : memref<1x128x128xf32, #tpu.memory_space<vmem>> -> memref<128x128xf32, #tpu.memory_space<vmem>>
    %dma_start3A_63 = arith.constant 0 : i32
    %dma_start3A_64 = tpu.memref_slice %arg12[%dma_start3A_57, %dma_start3A_63] : memref<8x128xi32, #tpu.memory_space<vmem>> -> memref<1x128xi32, #tpu.memory_space<vmem>>
    %dma_start3A_65 = tpu.memref_squeeze %dma_start3A_64 : memref<1x128xi32, #tpu.memory_space<vmem>> -> memref<128xi32, #tpu.memory_space<vmem>>
    %dma_start3A_66 = arith.constant 0 : i32
    %dma_start3A_67 = arith.constant 0 : i32
    %dma_start3A_68 = tpu.memref_slice %arg6[%dma_start3A_66, %dma_start3A_67] : memref<100000x128xf32, #tpu.memory_space<hbm>> -> memref<100000x128xf32, #tpu.memory_space<hbm>>
    tpu.enqueue_indirect_dma source(%dma_start3A_68 : memref<100000x128xf32, #tpu.memory_space<hbm>>) target(%dma_start3A_62 : memref<128x128xf32, #tpu.memory_space<vmem>>) offsets(%dma_start3A_65 : memref<128xi32, #tpu.memory_space<vmem>>) semaphore(%arg15 : memref<!tpu.dma_semaphore, #tpu.memory_space<semaphore_mem>>)
    %dma_start3A_69 = arith.constant 3 : i32
    %dma_start3A_70 = arith.constant 1 : i32
    %dma_start3A_71 = arith.constant 128 : i32
    %dma_start3A_72 = arith.constant 0 : i32
    %dma_start3A_73 = tpu.memref_slice %arg13[%dma_start3A_70, %dma_start3A_71, %dma_start3A_72] : memref<2x256x128xf32, #tpu.memory_space<vmem>> -> memref<1x128x128xf32, #tpu.memory_space<vmem>>
    %dma_start3A_74 = tpu.memref_squeeze %dma_start3A_73 : memref<1x128x128xf32, #tpu.memory_space<vmem>> -> memref<128x128xf32, #tpu.memory_space<vmem>>
    %dma_start3A_75 = arith.constant 0 : i32
    %dma_start3A_76 = tpu.memref_slice %arg12[%dma_start3A_69, %dma_start3A_75] : memref<8x128xi32, #tpu.memory_space<vmem>> -> memref<1x128xi32, #tpu.memory_space<vmem>>
    %dma_start3A_77 = tpu.memref_squeeze %dma_start3A_76 : memref<1x128xi32, #tpu.memory_space<vmem>> -> memref<128xi32, #tpu.memory_space<vmem>>
    %dma_start3A_78 = arith.constant 0 : i32
    %dma_start3A_79 = arith.constant 0 : i32
    %dma_start3A_80 = tpu.memref_slice %arg6[%dma_start3A_78, %dma_start3A_79] : memref<100000x128xf32, #tpu.memory_space<hbm>> -> memref<100000x128xf32, #tpu.memory_space<hbm>>
    tpu.enqueue_indirect_dma source(%dma_start3A_80 : memref<100000x128xf32, #tpu.memory_space<hbm>>) target(%dma_start3A_74 : memref<128x128xf32, #tpu.memory_space<vmem>>) offsets(%dma_start3A_77 : memref<128xi32, #tpu.memory_space<vmem>>) semaphore(%arg15 : memref<!tpu.dma_semaphore, #tpu.memory_space<semaphore_mem>>)
    %mul3A_81 = arith.constant 256 : i32
    %mul3A_82 = arith.muli %add3A, %mul3A_81 : i32
    %dma_start3A_83 = arith.constant 0 : i32
    %dma_start3A_84 = arith.constant 0 : i32
    %dma_start3A_85 = arith.constant 0 : i32
    %dma_start3A_86 = tpu.memref_slice %arg13[%dma_start3A_83, %dma_start3A_84, %dma_start3A_85] : memref<2x256x128xf32, #tpu.memory_space<vmem>> -> memref<1x256x128xf32, #tpu.memory_space<vmem>>
    %dma_start3A_87 = tpu.memref_squeeze %dma_start3A_86 : memref<1x256x128xf32, #tpu.memory_space<vmem>> -> memref<256x128xf32, #tpu.memory_space<vmem>>
    %dma_start3A_88 = arith.constant 0 : i32
    %dma_start3A_89 = tpu.memref_slice %arg8[%mul3A_82, %dma_start3A_88] : memref<8192x128xf32, #tpu.memory_space<hbm>> -> memref<256x128xf32, #tpu.memory_space<hbm>>
    %dma_start3A_90 = arith.constant 0 : i32
    %dma_start3A_91 = tpu.memref_slice %arg8[%mul3A_82, %dma_start3A_90] : memref<8192x128xf32, #tpu.memory_space<hbm>> -> memref<256x128xf32, #tpu.memory_space<hbm>>
    %dma_start3A_92 = arith.constant 0 : i32
    %dma_start3A_93 = arith.constant 0 : i32
    %dma_start3A_94 = tpu.memref_slice %arg13[%dma_start3A_83, %dma_start3A_92, %dma_start3A_93] : memref<2x256x128xf32, #tpu.memory_space<vmem>> -> memref<1x256x128xf32, #tpu.memory_space<vmem>>
    %dma_start3A_95 = tpu.memref_squeeze %dma_start3A_94 : memref<1x256x128xf32, #tpu.memory_space<vmem>> -> memref<256x128xf32, #tpu.memory_space<vmem>>
    tpu.enqueue_dma source(%dma_start3A_95 : memref<256x128xf32, #tpu.memory_space<vmem>>) target(%dma_start3A_91 : memref<256x128xf32, #tpu.memory_space<hbm>>) target_semaphore(%arg16 : memref<!tpu.dma_semaphore, #tpu.memory_space<semaphore_mem>>)
    %dma_wait3A_96 = arith.constant 2 : i32
    %dma_wait3A_97 = arith.constant 1 : i32
    %dma_wait3A_98 = arith.constant 0 : i32
    %dma_wait3A_99 = arith.constant 0 : i32
    %dma_wait3A_100 = tpu.memref_slice %arg13[%dma_wait3A_97, %dma_wait3A_98, %dma_wait3A_99] : memref<2x256x128xf32, #tpu.memory_space<vmem>> -> memref<1x128x128xf32, #tpu.memory_space<vmem>>
    %dma_wait3A_101 = tpu.memref_squeeze %dma_wait3A_100 : memref<1x128x128xf32, #tpu.memory_space<vmem>> -> memref<128x128xf32, #tpu.memory_space<vmem>>
    %dma_wait3A_102 = arith.constant 0 : i32
    %dma_wait3A_103 = tpu.memref_slice %arg12[%dma_wait3A_96, %dma_wait3A_102] : memref<8x128xi32, #tpu.memory_space<vmem>> -> memref<1x128xi32, #tpu.memory_space<vmem>>
    %dma_wait3A_104 = tpu.memref_squeeze %dma_wait3A_103 : memref<1x128xi32, #tpu.memory_space<vmem>> -> memref<128xi32, #tpu.memory_space<vmem>>
    %dma_wait3A_105 = arith.constant 0 : i32
    %dma_wait3A_106 = arith.constant 0 : i32
    %dma_wait3A_107 = tpu.memref_slice %arg6[%dma_wait3A_105, %dma_wait3A_106] : memref<100000x128xf32, #tpu.memory_space<hbm>> -> memref<100000x128xf32, #tpu.memory_space<hbm>>
    tpu.wait_indirect_dma semaphore(%arg15 : memref<!tpu.dma_semaphore, #tpu.memory_space<semaphore_mem>>) src(%dma_wait3A_107 : memref<100000x128xf32, #tpu.memory_space<hbm>>) dst(%dma_wait3A_101 : memref<128x128xf32, #tpu.memory_space<vmem>>)
    %dma_wait3A_108 = arith.constant 3 : i32
    %dma_wait3A_109 = arith.constant 1 : i32
    %dma_wait3A_110 = arith.constant 128 : i32
    %dma_wait3A_111 = arith.constant 0 : i32
    %dma_wait3A_112 = tpu.memref_slice %arg13[%dma_wait3A_109, %dma_wait3A_110, %dma_wait3A_111] : memref<2x256x128xf32, #tpu.memory_space<vmem>> -> memref<1x128x128xf32, #tpu.memory_space<vmem>>
    %dma_wait3A_113 = tpu.memref_squeeze %dma_wait3A_112 : memref<1x128x128xf32, #tpu.memory_space<vmem>> -> memref<128x128xf32, #tpu.memory_space<vmem>>
    %dma_wait3A_114 = arith.constant 0 : i32
    %dma_wait3A_115 = tpu.memref_slice %arg12[%dma_wait3A_108, %dma_wait3A_114] : memref<8x128xi32, #tpu.memory_space<vmem>> -> memref<1x128xi32, #tpu.memory_space<vmem>>
    %dma_wait3A_116 = tpu.memref_squeeze %dma_wait3A_115 : memref<1x128xi32, #tpu.memory_space<vmem>> -> memref<128xi32, #tpu.memory_space<vmem>>
    %dma_wait3A_117 = arith.constant 0 : i32
    %dma_wait3A_118 = arith.constant 0 : i32
    %dma_wait3A_119 = tpu.memref_slice %arg6[%dma_wait3A_117, %dma_wait3A_118] : memref<100000x128xf32, #tpu.memory_space<hbm>> -> memref<100000x128xf32, #tpu.memory_space<hbm>>
    tpu.wait_indirect_dma semaphore(%arg15 : memref<!tpu.dma_semaphore, #tpu.memory_space<semaphore_mem>>) src(%dma_wait3A_119 : memref<100000x128xf32, #tpu.memory_space<hbm>>) dst(%dma_wait3A_113 : memref<128x128xf32, #tpu.memory_space<vmem>>)
    %dma_wait3A_120 = arith.constant 0 : i32
    %dma_wait3A_121 = arith.constant 0 : i32
    %dma_wait3A_122 = arith.constant 0 : i32
    %dma_wait3A_123 = tpu.memref_slice %arg13[%dma_wait3A_120, %dma_wait3A_121, %dma_wait3A_122] : memref<2x256x128xf32, #tpu.memory_space<vmem>> -> memref<1x256x128xf32, #tpu.memory_space<vmem>>
    %dma_wait3A_124 = tpu.memref_squeeze %dma_wait3A_123 : memref<1x256x128xf32, #tpu.memory_space<vmem>> -> memref<256x128xf32, #tpu.memory_space<vmem>>
    %dma_wait3A_125 = arith.constant 0 : i32
    %dma_wait3A_126 = tpu.memref_slice %arg8[%mul3A_82, %dma_wait3A_125] : memref<8192x128xf32, #tpu.memory_space<hbm>> -> memref<256x128xf32, #tpu.memory_space<hbm>>
    %dma_wait3A_127 = arith.constant 0 : i32
    %dma_wait3A_128 = tpu.memref_slice %arg8[%mul3A_82, %dma_wait3A_127] : memref<8192x128xf32, #tpu.memory_space<hbm>> -> memref<256x128xf32, #tpu.memory_space<hbm>>
    %dma_wait3A_129 = arith.constant 0 : i32
    %dma_wait3A_130 = arith.constant 0 : i32
    %dma_wait3A_131 = tpu.memref_slice %arg13[%dma_wait3A_120, %dma_wait3A_129, %dma_wait3A_130] : memref<2x256x128xf32, #tpu.memory_space<vmem>> -> memref<1x256x128xf32, #tpu.memory_space<vmem>>
    %dma_wait3A_132 = tpu.memref_squeeze %dma_wait3A_131 : memref<1x256x128xf32, #tpu.memory_space<vmem>> -> memref<256x128xf32, #tpu.memory_space<vmem>>
    tpu.wait_dma2 semaphore(%arg16 : memref<!tpu.dma_semaphore, #tpu.memory_space<semaphore_mem>>) src(%dma_wait3A_132 : memref<256x128xf32, #tpu.memory_space<vmem>>) dst(%dma_wait3A_128 : memref<256x128xf32, #tpu.memory_space<hbm>>)
    %dma_start3A_133 = arith.constant 4 : i32
    %dma_start3A_134 = arith.constant 0 : i32
    %dma_start3A_135 = arith.constant 0 : i32
    %dma_start3A_136 = arith.constant 0 : i32
    %dma_start3A_137 = tpu.memref_slice %arg13[%dma_start3A_134, %dma_start3A_135, %dma_start3A_136] : memref<2x256x128xf32, #tpu.memory_space<vmem>> -> memref<1x128x128xf32, #tpu.memory_space<vmem>>
    %dma_start3A_138 = tpu.memref_squeeze %dma_start3A_137 : memref<1x128x128xf32, #tpu.memory_space<vmem>> -> memref<128x128xf32, #tpu.memory_space<vmem>>
    %dma_start3A_139 = arith.constant 0 : i32
    %dma_start3A_140 = tpu.memref_slice %arg12[%dma_start3A_133, %dma_start3A_139] : memref<8x128xi32, #tpu.memory_space<vmem>> -> memref<1x128xi32, #tpu.memory_space<vmem>>
    %dma_start3A_141 = tpu.memref_squeeze %dma_start3A_140 : memref<1x128xi32, #tpu.memory_space<vmem>> -> memref<128xi32, #tpu.memory_space<vmem>>
    %dma_start3A_142 = arith.constant 0 : i32
    %dma_start3A_143 = arith.constant 0 : i32
    %dma_start3A_144 = tpu.memref_slice %arg6[%dma_start3A_142, %dma_start3A_143] : memref<100000x128xf32, #tpu.memory_space<hbm>> -> memref<100000x128xf32, #tpu.memory_space<hbm>>
    tpu.enqueue_indirect_dma source(%dma_start3A_144 : memref<100000x128xf32, #tpu.memory_space<hbm>>) target(%dma_start3A_138 : memref<128x128xf32, #tpu.memory_space<vmem>>) offsets(%dma_start3A_141 : memref<128xi32, #tpu.memory_space<vmem>>) semaphore(%arg15 : memref<!tpu.dma_semaphore, #tpu.memory_space<semaphore_mem>>)
    %dma_start3A_145 = arith.constant 5 : i32
    %dma_start3A_146 = arith.constant 0 : i32
    %dma_start3A_147 = arith.constant 128 : i32
    %dma_start3A_148 = arith.constant 0 : i32
    %dma_start3A_149 = tpu.memref_slice %arg13[%dma_start3A_146, %dma_start3A_147, %dma_start3A_148] : memref<2x256x128xf32, #tpu.memory_space<vmem>> -> memref<1x128x128xf32, #tpu.memory_space<vmem>>
    %dma_start3A_150 = tpu.memref_squeeze %dma_start3A_149 : memref<1x128x128xf32, #tpu.memory_space<vmem>> -> memref<128x128xf32, #tpu.memory_space<vmem>>
    %dma_start3A_151 = arith.constant 0 : i32
    %dma_start3A_152 = tpu.memref_slice %arg12[%dma_start3A_145, %dma_start3A_151] : memref<8x128xi32, #tpu.memory_space<vmem>> -> memref<1x128xi32, #tpu.memory_space<vmem>>
    %dma_start3A_153 = tpu.memref_squeeze %dma_start3A_152 : memref<1x128xi32, #tpu.memory_space<vmem>> -> memref<128xi32, #tpu.memory_space<vmem>>
    %dma_start3A_154 = arith.constant 0 : i32
    %dma_start3A_155 = arith.constant 0 : i32
    %dma_start3A_156 = tpu.memref_slice %arg6[%dma_start3A_154, %dma_start3A_155] : memref<100000x128xf32, #tpu.memory_space<hbm>> -> memref<100000x128xf32, #tpu.memory_space<hbm>>
    tpu.enqueue_indirect_dma source(%dma_start3A_156 : memref<100000x128xf32, #tpu.memory_space<hbm>>) target(%dma_start3A_150 : memref<128x128xf32, #tpu.memory_space<vmem>>) offsets(%dma_start3A_153 : memref<128xi32, #tpu.memory_space<vmem>>) semaphore(%arg15 : memref<!tpu.dma_semaphore, #tpu.memory_space<semaphore_mem>>)
    %mul3A_157 = arith.constant 256 : i32
    %mul3A_158 = arith.muli %add3A, %mul3A_157 : i32
    %dma_start3A_159 = arith.constant 1 : i32
    %dma_start3A_160 = arith.constant 0 : i32
    %dma_start3A_161 = arith.constant 0 : i32
    %dma_start3A_162 = tpu.memref_slice %arg13[%dma_start3A_159, %dma_start3A_160, %dma_start3A_161] : memref<2x256x128xf32, #tpu.memory_space<vmem>> -> memref<1x256x128xf32, #tpu.memory_space<vmem>>
    %dma_start3A_163 = tpu.memref_squeeze %dma_start3A_162 : memref<1x256x128xf32, #tpu.memory_space<vmem>> -> memref<256x128xf32, #tpu.memory_space<vmem>>
    %dma_start3A_164 = arith.constant 0 : i32
    %dma_start3A_165 = tpu.memref_slice %arg9[%mul3A_158, %dma_start3A_164] : memref<8192x128xf32, #tpu.memory_space<hbm>> -> memref<256x128xf32, #tpu.memory_space<hbm>>
    %dma_start3A_166 = arith.constant 0 : i32
    %dma_start3A_167 = tpu.memref_slice %arg9[%mul3A_158, %dma_start3A_166] : memref<8192x128xf32, #tpu.memory_space<hbm>> -> memref<256x128xf32, #tpu.memory_space<hbm>>
    %dma_start3A_168 = arith.constant 0 : i32
    %dma_start3A_169 = arith.constant 0 : i32
    %dma_start3A_170 = tpu.memref_slice %arg13[%dma_start3A_159, %dma_start3A_168, %dma_start3A_169] : memref<2x256x128xf32, #tpu.memory_space<vmem>> -> memref<1x256x128xf32, #tpu.memory_space<vmem>>
    %dma_start3A_171 = tpu.memref_squeeze %dma_start3A_170 : memref<1x256x128xf32, #tpu.memory_space<vmem>> -> memref<256x128xf32, #tpu.memory_space<vmem>>
    tpu.enqueue_dma source(%dma_start3A_171 : memref<256x128xf32, #tpu.memory_space<vmem>>) target(%dma_start3A_167 : memref<256x128xf32, #tpu.memory_space<hbm>>) target_semaphore(%arg17 : memref<!tpu.dma_semaphore, #tpu.memory_space<semaphore_mem>>)
    %dma_wait3A_172 = arith.constant 4 : i32
    %dma_wait3A_173 = arith.constant 0 : i32
    %dma_wait3A_174 = arith.constant 0 : i32
    %dma_wait3A_175 = arith.constant 0 : i32
    %dma_wait3A_176 = tpu.memref_slice %arg13[%dma_wait3A_173, %dma_wait3A_174, %dma_wait3A_175] : memref<2x256x128xf32, #tpu.memory_space<vmem>> -> memref<1x128x128xf32, #tpu.memory_space<vmem>>
    %dma_wait3A_177 = tpu.memref_squeeze %dma_wait3A_176 : memref<1x128x128xf32, #tpu.memory_space<vmem>> -> memref<128x128xf32, #tpu.memory_space<vmem>>
    %dma_wait3A_178 = arith.constant 0 : i32
    %dma_wait3A_179 = tpu.memref_slice %arg12[%dma_wait3A_172, %dma_wait3A_178] : memref<8x128xi32, #tpu.memory_space<vmem>> -> memref<1x128xi32, #tpu.memory_space<vmem>>
    %dma_wait3A_180 = tpu.memref_squeeze %dma_wait3A_179 : memref<1x128xi32, #tpu.memory_space<vmem>> -> memref<128xi32, #tpu.memory_space<vmem>>
    %dma_wait3A_181 = arith.constant 0 : i32
    %dma_wait3A_182 = arith.constant 0 : i32
    %dma_wait3A_183 = tpu.memref_slice %arg6[%dma_wait3A_181, %dma_wait3A_182] : memref<100000x128xf32, #tpu.memory_space<hbm>> -> memref<100000x128xf32, #tpu.memory_space<hbm>>
    tpu.wait_indirect_dma semaphore(%arg15 : memref<!tpu.dma_semaphore, #tpu.memory_space<semaphore_mem>>) src(%dma_wait3A_183 : memref<100000x128xf32, #tpu.memory_space<hbm>>) dst(%dma_wait3A_177 : memref<128x128xf32, #tpu.memory_space<vmem>>)
    %dma_wait3A_184 = arith.constant 5 : i32
    %dma_wait3A_185 = arith.constant 0 : i32
    %dma_wait3A_186 = arith.constant 128 : i32
    %dma_wait3A_187 = arith.constant 0 : i32
    %dma_wait3A_188 = tpu.memref_slice %arg13[%dma_wait3A_185, %dma_wait3A_186, %dma_wait3A_187] : memref<2x256x128xf32, #tpu.memory_space<vmem>> -> memref<1x128x128xf32, #tpu.memory_space<vmem>>
    %dma_wait3A_189 = tpu.memref_squeeze %dma_wait3A_188 : memref<1x128x128xf32, #tpu.memory_space<vmem>> -> memref<128x128xf32, #tpu.memory_space<vmem>>
    %dma_wait3A_190 = arith.constant 0 : i32
    %dma_wait3A_191 = tpu.memref_slice %arg12[%dma_wait3A_184, %dma_wait3A_190] : memref<8x128xi32, #tpu.memory_space<vmem>> -> memref<1x128xi32, #tpu.memory_space<vmem>>
    %dma_wait3A_192 = tpu.memref_squeeze %dma_wait3A_191 : memref<1x128xi32, #tpu.memory_space<vmem>> -> memref<128xi32, #tpu.memory_space<vmem>>
    %dma_wait3A_193 = arith.constant 0 : i32
    %dma_wait3A_194 = arith.constant 0 : i32
    %dma_wait3A_195 = tpu.memref_slice %arg6[%dma_wait3A_193, %dma_wait3A_194] : memref<100000x128xf32, #tpu.memory_space<hbm>> -> memref<100000x128xf32, #tpu.memory_space<hbm>>
    tpu.wait_indirect_dma semaphore(%arg15 : memref<!tpu.dma_semaphore, #tpu.memory_space<semaphore_mem>>) src(%dma_wait3A_195 : memref<100000x128xf32, #tpu.memory_space<hbm>>) dst(%dma_wait3A_189 : memref<128x128xf32, #tpu.memory_space<vmem>>)
    %eq3A_196 = arith.constant 0 : i32
    %eq3A_197 = arith.cmpi eq, %arg1, %eq3A_196 : i32
    %convert_element_type3A_198 = arith.extui %eq3A_197 : i1 to i32
    %cond3A_199 = arith.constant 0 : i32
    %cond3A_200 = arith.cmpi ne, %convert_element_type3A_198, %cond3A_199 : i32
    scf.if %cond3A_200 {
      tpu.wait_dma2 semaphore(%arg18 : memref<!tpu.dma_semaphore, #tpu.memory_space<semaphore_mem>>) src(%arg7 : memref<1000x128xf32, #tpu.memory_space<hbm>>) dst(%arg14 : memref<1000x128xf32, #tpu.memory_space<vmem_shared>>)
    } else {
    }
    %barrier3A = arith.constant 0 : index
    tpu.barrier barrier_id(%barrier3A)
    %dma_wait3A_201 = arith.constant 1 : i32
    %dma_wait3A_202 = arith.constant 0 : i32
    %dma_wait3A_203 = arith.constant 0 : i32
    %dma_wait3A_204 = tpu.memref_slice %arg13[%dma_wait3A_201, %dma_wait3A_202, %dma_wait3A_203] : memref<2x256x128xf32, #tpu.memory_space<vmem>> -> memref<1x256x128xf32, #tpu.memory_space<vmem>>
    %dma_wait3A_205 = tpu.memref_squeeze %dma_wait3A_204 : memref<1x256x128xf32, #tpu.memory_space<vmem>> -> memref<256x128xf32, #tpu.memory_space<vmem>>
    %dma_wait3A_206 = arith.constant 0 : i32
    %dma_wait3A_207 = tpu.memref_slice %arg9[%mul3A_158, %dma_wait3A_206] : memref<8192x128xf32, #tpu.memory_space<hbm>> -> memref<256x128xf32, #tpu.memory_space<hbm>>
    %dma_wait3A_208 = arith.constant 0 : i32
    %dma_wait3A_209 = tpu.memref_slice %arg9[%mul3A_158, %dma_wait3A_208] : memref<8192x128xf32, #tpu.memory_space<hbm>> -> memref<256x128xf32, #tpu.memory_space<hbm>>
    %dma_wait3A_210 = arith.constant 0 : i32
    %dma_wait3A_211 = arith.constant 0 : i32
    %dma_wait3A_212 = tpu.memref_slice %arg13[%dma_wait3A_201, %dma_wait3A_210, %dma_wait3A_211] : memref<2x256x128xf32, #tpu.memory_space<vmem>> -> memref<1x256x128xf32, #tpu.memory_space<vmem>>
    %dma_wait3A_213 = tpu.memref_squeeze %dma_wait3A_212 : memref<1x256x128xf32, #tpu.memory_space<vmem>> -> memref<256x128xf32, #tpu.memory_space<vmem>>
    tpu.wait_dma2 semaphore(%arg17 : memref<!tpu.dma_semaphore, #tpu.memory_space<semaphore_mem>>) src(%dma_wait3A_213 : memref<256x128xf32, #tpu.memory_space<vmem>>) dst(%dma_wait3A_209 : memref<256x128xf32, #tpu.memory_space<hbm>>)
    %dma_start3A_214 = arith.constant 6 : i32
    %dma_start3A_215 = arith.constant 1 : i32
    %dma_start3A_216 = arith.constant 0 : i32
    %dma_start3A_217 = arith.constant 0 : i32
    %dma_start3A_218 = tpu.memref_slice %arg13[%dma_start3A_215, %dma_start3A_216, %dma_start3A_217] : memref<2x256x128xf32, #tpu.memory_space<vmem>> -> memref<1x128x128xf32, #tpu.memory_space<vmem>>
    %dma_start3A_219 = tpu.memref_squeeze %dma_start3A_218 : memref<1x128x128xf32, #tpu.memory_space<vmem>> -> memref<128x128xf32, #tpu.memory_space<vmem>>
    %dma_start3A_220 = arith.constant 0 : i32
    %dma_start3A_221 = tpu.memref_slice %arg12[%dma_start3A_214, %dma_start3A_220] : memref<8x128xi32, #tpu.memory_space<vmem>> -> memref<1x128xi32, #tpu.memory_space<vmem>>
    %dma_start3A_222 = tpu.memref_squeeze %dma_start3A_221 : memref<1x128xi32, #tpu.memory_space<vmem>> -> memref<128xi32, #tpu.memory_space<vmem>>
    %dma_start3A_223 = arith.constant 0 : i32
    %dma_start3A_224 = arith.constant 0 : i32
    %dma_start3A_225 = tpu.memref_slice %arg14[%dma_start3A_223, %dma_start3A_224] : memref<1000x128xf32, #tpu.memory_space<vmem_shared>> -> memref<1000x128xf32, #tpu.memory_space<vmem_shared>>
    tpu.enqueue_indirect_dma source(%dma_start3A_225 : memref<1000x128xf32, #tpu.memory_space<vmem_shared>>) target(%dma_start3A_219 : memref<128x128xf32, #tpu.memory_space<vmem>>) offsets(%dma_start3A_222 : memref<128xi32, #tpu.memory_space<vmem>>) semaphore(%arg15 : memref<!tpu.dma_semaphore, #tpu.memory_space<semaphore_mem>>)
    %dma_start3A_226 = arith.constant 7 : i32
    %dma_start3A_227 = arith.constant 1 : i32
    %dma_start3A_228 = arith.constant 128 : i32
    %dma_start3A_229 = arith.constant 0 : i32
    %dma_start3A_230 = tpu.memref_slice %arg13[%dma_start3A_227, %dma_start3A_228, %dma_start3A_229] : memref<2x256x128xf32, #tpu.memory_space<vmem>> -> memref<1x128x128xf32, #tpu.memory_space<vmem>>
    %dma_start3A_231 = tpu.memref_squeeze %dma_start3A_230 : memref<1x128x128xf32, #tpu.memory_space<vmem>> -> memref<128x128xf32, #tpu.memory_space<vmem>>
    %dma_start3A_232 = arith.constant 0 : i32
    %dma_start3A_233 = tpu.memref_slice %arg12[%dma_start3A_226, %dma_start3A_232] : memref<8x128xi32, #tpu.memory_space<vmem>> -> memref<1x128xi32, #tpu.memory_space<vmem>>
    %dma_start3A_234 = tpu.memref_squeeze %dma_start3A_233 : memref<1x128xi32, #tpu.memory_space<vmem>> -> memref<128xi32, #tpu.memory_space<vmem>>
    %dma_start3A_235 = arith.constant 0 : i32
    %dma_start3A_236 = arith.constant 0 : i32
    %dma_start3A_237 = tpu.memref_slice %arg14[%dma_start3A_235, %dma_start3A_236] : memref<1000x128xf32, #tpu.memory_space<vmem_shared>> -> memref<1000x128xf32, #tpu.memory_space<vmem_shared>>
    tpu.enqueue_indirect_dma source(%dma_start3A_237 : memref<1000x128xf32, #tpu.memory_space<vmem_shared>>) target(%dma_start3A_231 : memref<128x128xf32, #tpu.memory_space<vmem>>) offsets(%dma_start3A_234 : memref<128xi32, #tpu.memory_space<vmem>>) semaphore(%arg15 : memref<!tpu.dma_semaphore, #tpu.memory_space<semaphore_mem>>)
    %mul3A_238 = arith.constant 256 : i32
    %mul3A_239 = arith.muli %add3A, %mul3A_238 : i32
    %dma_start3A_240 = arith.constant 0 : i32
    %dma_start3A_241 = arith.constant 0 : i32
    %dma_start3A_242 = arith.constant 0 : i32
    %dma_start3A_243 = tpu.memref_slice %arg13[%dma_start3A_240, %dma_start3A_241, %dma_start3A_242] : memref<2x256x128xf32, #tpu.memory_space<vmem>> -> memref<1x256x128xf32, #tpu.memory_space<vmem>>
    %dma_start3A_244 = tpu.memref_squeeze %dma_start3A_243 : memref<1x256x128xf32, #tpu.memory_space<vmem>> -> memref<256x128xf32, #tpu.memory_space<vmem>>
    %dma_start3A_245 = arith.constant 0 : i32
    %dma_start3A_246 = tpu.memref_slice %arg10[%mul3A_239, %dma_start3A_245] : memref<8192x128xf32, #tpu.memory_space<hbm>> -> memref<256x128xf32, #tpu.memory_space<hbm>>
    %dma_start3A_247 = arith.constant 0 : i32
    %dma_start3A_248 = tpu.memref_slice %arg10[%mul3A_239, %dma_start3A_247] : memref<8192x128xf32, #tpu.memory_space<hbm>> -> memref<256x128xf32, #tpu.memory_space<hbm>>
    %dma_start3A_249 = arith.constant 0 : i32
    %dma_start3A_250 = arith.constant 0 : i32
    %dma_start3A_251 = tpu.memref_slice %arg13[%dma_start3A_240, %dma_start3A_249, %dma_start3A_250] : memref<2x256x128xf32, #tpu.memory_space<vmem>> -> memref<1x256x128xf32, #tpu.memory_space<vmem>>
    %dma_start3A_252 = tpu.memref_squeeze %dma_start3A_251 : memref<1x256x128xf32, #tpu.memory_space<vmem>> -> memref<256x128xf32, #tpu.memory_space<vmem>>
    tpu.enqueue_dma source(%dma_start3A_252 : memref<256x128xf32, #tpu.memory_space<vmem>>) target(%dma_start3A_248 : memref<256x128xf32, #tpu.memory_space<hbm>>) target_semaphore(%arg16 : memref<!tpu.dma_semaphore, #tpu.memory_space<semaphore_mem>>)
    %dma_wait3A_253 = arith.constant 6 : i32
    %dma_wait3A_254 = arith.constant 1 : i32
    %dma_wait3A_255 = arith.constant 0 : i32
    %dma_wait3A_256 = arith.constant 0 : i32
    %dma_wait3A_257 = tpu.memref_slice %arg13[%dma_wait3A_254, %dma_wait3A_255, %dma_wait3A_256] : memref<2x256x128xf32, #tpu.memory_space<vmem>> -> memref<1x128x128xf32, #tpu.memory_space<vmem>>
    %dma_wait3A_258 = tpu.memref_squeeze %dma_wait3A_257 : memref<1x128x128xf32, #tpu.memory_space<vmem>> -> memref<128x128xf32, #tpu.memory_space<vmem>>
    %dma_wait3A_259 = arith.constant 0 : i32
    %dma_wait3A_260 = tpu.memref_slice %arg12[%dma_wait3A_253, %dma_wait3A_259] : memref<8x128xi32, #tpu.memory_space<vmem>> -> memref<1x128xi32, #tpu.memory_space<vmem>>
    %dma_wait3A_261 = tpu.memref_squeeze %dma_wait3A_260 : memref<1x128xi32, #tpu.memory_space<vmem>> -> memref<128xi32, #tpu.memory_space<vmem>>
    %dma_wait3A_262 = arith.constant 0 : i32
    %dma_wait3A_263 = arith.constant 0 : i32
    %dma_wait3A_264 = tpu.memref_slice %arg14[%dma_wait3A_262, %dma_wait3A_263] : memref<1000x128xf32, #tpu.memory_space<vmem_shared>> -> memref<1000x128xf32, #tpu.memory_space<vmem_shared>>
    tpu.wait_indirect_dma semaphore(%arg15 : memref<!tpu.dma_semaphore, #tpu.memory_space<semaphore_mem>>) src(%dma_wait3A_264 : memref<1000x128xf32, #tpu.memory_space<vmem_shared>>) dst(%dma_wait3A_258 : memref<128x128xf32, #tpu.memory_space<vmem>>)
    %dma_wait3A_265 = arith.constant 7 : i32
    %dma_wait3A_266 = arith.constant 1 : i32
    %dma_wait3A_267 = arith.constant 128 : i32
    %dma_wait3A_268 = arith.constant 0 : i32
    %dma_wait3A_269 = tpu.memref_slice %arg13[%dma_wait3A_266, %dma_wait3A_267, %dma_wait3A_268] : memref<2x256x128xf32, #tpu.memory_space<vmem>> -> memref<1x128x128xf32, #tpu.memory_space<vmem>>
    %dma_wait3A_270 = tpu.memref_squeeze %dma_wait3A_269 : memref<1x128x128xf32, #tpu.memory_space<vmem>> -> memref<128x128xf32, #tpu.memory_space<vmem>>
    %dma_wait3A_271 = arith.constant 0 : i32
    %dma_wait3A_272 = tpu.memref_slice %arg12[%dma_wait3A_265, %dma_wait3A_271] : memref<8x128xi32, #tpu.memory_space<vmem>> -> memref<1x128xi32, #tpu.memory_space<vmem>>
    %dma_wait3A_273 = tpu.memref_squeeze %dma_wait3A_272 : memref<1x128xi32, #tpu.memory_space<vmem>> -> memref<128xi32, #tpu.memory_space<vmem>>
    %dma_wait3A_274 = arith.constant 0 : i32
    %dma_wait3A_275 = arith.constant 0 : i32
    %dma_wait3A_276 = tpu.memref_slice %arg14[%dma_wait3A_274, %dma_wait3A_275] : memref<1000x128xf32, #tpu.memory_space<vmem_shared>> -> memref<1000x128xf32, #tpu.memory_space<vmem_shared>>
    tpu.wait_indirect_dma semaphore(%arg15 : memref<!tpu.dma_semaphore, #tpu.memory_space<semaphore_mem>>) src(%dma_wait3A_276 : memref<1000x128xf32, #tpu.memory_space<vmem_shared>>) dst(%dma_wait3A_270 : memref<128x128xf32, #tpu.memory_space<vmem>>)
    %mul3A_277 = arith.constant 256 : i32
    %mul3A_278 = arith.muli %add3A, %mul3A_277 : i32
    %dma_start3A_279 = arith.constant 1 : i32
    %dma_start3A_280 = arith.constant 0 : i32
    %dma_start3A_281 = arith.constant 0 : i32
    %dma_start3A_282 = tpu.memref_slice %arg13[%dma_start3A_279, %dma_start3A_280, %dma_start3A_281] : memref<2x256x128xf32, #tpu.memory_space<vmem>> -> memref<1x256x128xf32, #tpu.memory_space<vmem>>
    %dma_start3A_283 = tpu.memref_squeeze %dma_start3A_282 : memref<1x256x128xf32, #tpu.memory_space<vmem>> -> memref<256x128xf32, #tpu.memory_space<vmem>>
    %dma_start3A_284 = arith.constant 0 : i32
    %dma_start3A_285 = tpu.memref_slice %arg11[%mul3A_278, %dma_start3A_284] : memref<8192x128xf32, #tpu.memory_space<hbm>> -> memref<256x128xf32, #tpu.memory_space<hbm>>
    %dma_start3A_286 = arith.constant 0 : i32
    %dma_start3A_287 = tpu.memref_slice %arg11[%mul3A_278, %dma_start3A_286] : memref<8192x128xf32, #tpu.memory_space<hbm>> -> memref<256x128xf32, #tpu.memory_space<hbm>>
    %dma_start3A_288 = arith.constant 0 : i32
    %dma_start3A_289 = arith.constant 0 : i32
    %dma_start3A_290 = tpu.memref_slice %arg13[%dma_start3A_279, %dma_start3A_288, %dma_start3A_289] : memref<2x256x128xf32, #tpu.memory_space<vmem>> -> memref<1x256x128xf32, #tpu.memory_space<vmem>>
    %dma_start3A_291 = tpu.memref_squeeze %dma_start3A_290 : memref<1x256x128xf32, #tpu.memory_space<vmem>> -> memref<256x128xf32, #tpu.memory_space<vmem>>
    tpu.enqueue_dma source(%dma_start3A_291 : memref<256x128xf32, #tpu.memory_space<vmem>>) target(%dma_start3A_287 : memref<256x128xf32, #tpu.memory_space<hbm>>) target_semaphore(%arg17 : memref<!tpu.dma_semaphore, #tpu.memory_space<semaphore_mem>>)
    %dma_wait3A_292 = arith.constant 0 : i32
    %dma_wait3A_293 = arith.constant 0 : i32
    %dma_wait3A_294 = arith.constant 0 : i32
    %dma_wait3A_295 = tpu.memref_slice %arg13[%dma_wait3A_292, %dma_wait3A_293, %dma_wait3A_294] : memref<2x256x128xf32, #tpu.memory_space<vmem>> -> memref<1x256x128xf32, #tpu.memory_space<vmem>>
    %dma_wait3A_296 = tpu.memref_squeeze %dma_wait3A_295 : memref<1x256x128xf32, #tpu.memory_space<vmem>> -> memref<256x128xf32, #tpu.memory_space<vmem>>
    %dma_wait3A_297 = arith.constant 0 : i32
    %dma_wait3A_298 = tpu.memref_slice %arg10[%mul3A_239, %dma_wait3A_297] : memref<8192x128xf32, #tpu.memory_space<hbm>> -> memref<256x128xf32, #tpu.memory_space<hbm>>
    %dma_wait3A_299 = arith.constant 0 : i32
    %dma_wait3A_300 = tpu.memref_slice %arg10[%mul3A_239, %dma_wait3A_299] : memref<8192x128xf32, #tpu.memory_space<hbm>> -> memref<256x128xf32, #tpu.memory_space<hbm>>
    %dma_wait3A_301 = arith.constant 0 : i32
    %dma_wait3A_302 = arith.constant 0 : i32
    %dma_wait3A_303 = tpu.memref_slice %arg13[%dma_wait3A_292, %dma_wait3A_301, %dma_wait3A_302] : memref<2x256x128xf32, #tpu.memory_space<vmem>> -> memref<1x256x128xf32, #tpu.memory_space<vmem>>
    %dma_wait3A_304 = tpu.memref_squeeze %dma_wait3A_303 : memref<1x256x128xf32, #tpu.memory_space<vmem>> -> memref<256x128xf32, #tpu.memory_space<vmem>>
    tpu.wait_dma2 semaphore(%arg16 : memref<!tpu.dma_semaphore, #tpu.memory_space<semaphore_mem>>) src(%dma_wait3A_304 : memref<256x128xf32, #tpu.memory_space<vmem>>) dst(%dma_wait3A_300 : memref<256x128xf32, #tpu.memory_space<hbm>>)
    %dma_wait3A_305 = arith.constant 1 : i32
    %dma_wait3A_306 = arith.constant 0 : i32
    %dma_wait3A_307 = arith.constant 0 : i32
    %dma_wait3A_308 = tpu.memref_slice %arg13[%dma_wait3A_305, %dma_wait3A_306, %dma_wait3A_307] : memref<2x256x128xf32, #tpu.memory_space<vmem>> -> memref<1x256x128xf32, #tpu.memory_space<vmem>>
    %dma_wait3A_309 = tpu.memref_squeeze %dma_wait3A_308 : memref<1x256x128xf32, #tpu.memory_space<vmem>> -> memref<256x128xf32, #tpu.memory_space<vmem>>
    %dma_wait3A_310 = arith.constant 0 : i32
    %dma_wait3A_311 = tpu.memref_slice %arg11[%mul3A_278, %dma_wait3A_310] : memref<8192x128xf32, #tpu.memory_space<hbm>> -> memref<256x128xf32, #tpu.memory_space<hbm>>
    %dma_wait3A_312 = arith.constant 0 : i32
    %dma_wait3A_313 = tpu.memref_slice %arg11[%mul3A_278, %dma_wait3A_312] : memref<8192x128xf32, #tpu.memory_space<hbm>> -> memref<256x128xf32, #tpu.memory_space<hbm>>
    %dma_wait3A_314 = arith.constant 0 : i32
    %dma_wait3A_315 = arith.constant 0 : i32
    %dma_wait3A_316 = tpu.memref_slice %arg13[%dma_wait3A_305, %dma_wait3A_314, %dma_wait3A_315] : memref<2x256x128xf32, #tpu.memory_space<vmem>> -> memref<1x256x128xf32, #tpu.memory_space<vmem>>
    %dma_wait3A_317 = tpu.memref_squeeze %dma_wait3A_316 : memref<1x256x128xf32, #tpu.memory_space<vmem>> -> memref<256x128xf32, #tpu.memory_space<vmem>>
    tpu.wait_dma2 semaphore(%arg17 : memref<!tpu.dma_semaphore, #tpu.memory_space<semaphore_mem>>) src(%dma_wait3A_317 : memref<256x128xf32, #tpu.memory_space<vmem>>) dst(%dma_wait3A_313 : memref<256x128xf32, #tpu.memory_space<hbm>>)
    return
  }
}

module attributes {stable_mosaic.version = 14 : i64} {
  func.func @_loss_body(%arg0: i32, %arg1: memref<2048x128xf32, #tpu.memory_space<vmem>>, %arg2: memref<2048x128xf32, #tpu.memory_space<vmem>>, %arg3: memref<2048x128xf32, #tpu.memory_space<vmem>>, %arg4: memref<2048x128xf32, #tpu.memory_space<vmem>>, %arg5: memref<128x128xf32, #tpu.memory_space<vmem>>, %arg6: memref<1x2xf32, #tpu.memory_space<smem>>, %arg7: memref<2xf32, #tpu.memory_space<smem>>) attributes {dimension_semantics = [#tpu.dimension_semantics<arbitrary>], iteration_bounds = array<i64: 4>, scalar_prefetch = 0 : i64, scratch_operands = 1 : i64, tpu.core_type = #tpu.core_type<tc>, window_params = [{transform_indices = @transform_0, window_bounds = array<i64: 2048, 128>}, {transform_indices = @transform_1, window_bounds = array<i64: 2048, 128>}, {transform_indices = @transform_2, window_bounds = array<i64: 2048, 128>}, {transform_indices = @transform_3, window_bounds = array<i64: 2048, 128>}, {pipeline_mode = #tpu.pipeline_mode<synchronous>, transform_indices = @transform_4, window_bounds = array<i64: 128, 128>}, {transform_indices = @transform_5, window_bounds = array<i64: 1, 2>}]} {
    %eq3A = arith.constant 0 : i32
    %eq3A_0 = arith.cmpi eq, %arg0, %eq3A : i32
    %convert_element_type3A = arith.extui %eq3A_0 : i1 to i32
    %cond3A = arith.constant 0 : i32
    %cond3A_1 = arith.cmpi ne, %convert_element_type3A, %cond3A : i32
    scf.if %cond3A_1 {
      %swap3A_89 = arith.constant 0.000000e+00 : f32
      %swap3A_90 = arith.constant 0 : index
      %swap3A_91 = memref.load %arg7[%swap3A_90] : memref<2xf32, #tpu.memory_space<smem>>
      memref.store %swap3A_89, %arg7[%swap3A_90] : memref<2xf32, #tpu.memory_space<smem>>
      %swap3A_92 = arith.constant 0.000000e+00 : f32
      %swap3A_93 = arith.constant 1 : index
      %swap3A_94 = memref.load %arg7[%swap3A_93] : memref<2xf32, #tpu.memory_space<smem>>
      memref.store %swap3A_92, %arg7[%swap3A_93] : memref<2xf32, #tpu.memory_space<smem>>
    } else {
    }
    %get3A = arith.constant 0 : index
    %get3A_2 = arith.constant 0 : index
    %get3A_3 = vector.load %arg5[%get3A, %get3A_2] : memref<128x128xf32, #tpu.memory_space<vmem>>, vector<128x128xf32>
    %get3A_4 = arith.constant 0 : index
    %get3A_5 = arith.constant 0 : index
    %get3A_6 = vector.load %arg1[%get3A_4, %get3A_5] : memref<2048x128xf32, #tpu.memory_space<vmem>>, vector<2048x128xf32>
    %dot_general3A = arith.constant dense<0.000000e+00> : vector<2048x128xf32>
    %dot_general3A_7 = tpu.matmul %get3A_6, %get3A_3, %dot_general3A {dimension_numbers = #tpu.dot_dimension_numbers<[1], [0], [0], [1], [0, 0, 1, 1], [], []>, transpose_lhs_hint = false} : vector<2048x128xf32>, vector<128x128xf32>, vector<2048x128xf32> -> vector<2048x128xf32>
    %abs3A = math.absf %dot_general3A_7 : vector<2048x128xf32>
    %get3A_8 = arith.constant 0 : index
    %get3A_9 = arith.constant 0 : index
    %get3A_10 = vector.load %arg2[%get3A_8, %get3A_9] : memref<2048x128xf32, #tpu.memory_space<vmem>>, vector<2048x128xf32>
    %dot_general3A_11 = arith.constant dense<0.000000e+00> : vector<2048x128xf32>
    %dot_general3A_12 = tpu.matmul %get3A_10, %get3A_3, %dot_general3A_11 {dimension_numbers = #tpu.dot_dimension_numbers<[1], [0], [0], [1], [0, 0, 1, 1], [], []>, transpose_lhs_hint = false} : vector<2048x128xf32>, vector<128x128xf32>, vector<2048x128xf32> -> vector<2048x128xf32>
    %abs3A_13 = math.absf %dot_general3A_12 : vector<2048x128xf32>
    %get3A_14 = arith.constant 0 : index
    %get3A_15 = arith.constant 0 : index
    %get3A_16 = vector.load %arg3[%get3A_14, %get3A_15] : memref<2048x128xf32, #tpu.memory_space<vmem>>, vector<2048x128xf32>
    %dot_general3A_17 = arith.constant dense<0.000000e+00> : vector<2048x128xf32>
    %dot_general3A_18 = tpu.matmul %get3A_16, %get3A_3, %dot_general3A_17 {dimension_numbers = #tpu.dot_dimension_numbers<[1], [0], [0], [1], [0, 0, 1, 1], [], []>, transpose_lhs_hint = false} : vector<2048x128xf32>, vector<128x128xf32>, vector<2048x128xf32> -> vector<2048x128xf32>
    %abs3A_19 = math.absf %dot_general3A_18 : vector<2048x128xf32>
    %get3A_20 = arith.constant 0 : index
    %get3A_21 = arith.constant 0 : index
    %get3A_22 = vector.load %arg4[%get3A_20, %get3A_21] : memref<2048x128xf32, #tpu.memory_space<vmem>>, vector<2048x128xf32>
    %abs3A_23 = math.absf %get3A_22 : vector<2048x128xf32>
    %add3A = arith.addf %abs3A, %abs3A_23 : vector<2048x128xf32>
    %sub3A = arith.subf %add3A, %abs3A_13 : vector<2048x128xf32>
    %sub3A_24 = arith.subf %add3A, %abs3A_19 : vector<2048x128xf32>
    %mul3A = arith.mulf %sub3A, %sub3A : vector<2048x128xf32>
    %reduce_sum3A = arith.constant dense<0.000000e+00> : vector<2048xf32>
    %reduce_sum3A_25 = vector.multi_reduction <add>, %mul3A, %reduce_sum3A [1] : vector<2048x128xf32> to vector<2048xf32>
    %broadcast_in_dim3A = vector.shape_cast %reduce_sum3A_25 : vector<2048xf32> to vector<2048x1xf32>
    %mul3A_26 = arith.constant 5.000000e-01 : f32
    %mul3A_27 = vector.broadcast %mul3A_26 : f32 to vector<2048x1xf32>
    %mul3A_28 = arith.mulf %mul3A_27, %broadcast_in_dim3A : vector<2048x1xf32>
    %mul3A_29 = arith.mulf %sub3A_24, %sub3A_24 : vector<2048x128xf32>
    %reduce_sum3A_30 = arith.constant dense<0.000000e+00> : vector<2048xf32>
    %reduce_sum3A_31 = vector.multi_reduction <add>, %mul3A_29, %reduce_sum3A_30 [1] : vector<2048x128xf32> to vector<2048xf32>
    %broadcast_in_dim3A_32 = vector.shape_cast %reduce_sum3A_31 : vector<2048xf32> to vector<2048x1xf32>
    %mul3A_33 = arith.constant 5.000000e-01 : f32
    %mul3A_34 = vector.broadcast %mul3A_33 : f32 to vector<2048x1xf32>
    %mul3A_35 = arith.mulf %mul3A_34, %broadcast_in_dim3A_32 : vector<2048x1xf32>
    %sub3A_36 = arith.subf %mul3A_35, %mul3A_28 : vector<2048x1xf32>
    %min3A = arith.constant 0.000000e+00 : f32
    %min3A_37 = vector.broadcast %min3A : f32 to vector<2048x1xf32>
    %min3A_38 = arith.minimumf %sub3A_36, %min3A_37 : vector<2048x1xf32>
    %abs3A_39 = math.absf %sub3A_36 : vector<2048x1xf32>
    %neg3A = arith.constant 0.000000e+00 : f32
    %neg3A_40 = vector.broadcast %neg3A : f32 to vector<2048x1xf32>
    %neg3A_41 = arith.subf %neg3A_40, %abs3A_39 : vector<2048x1xf32>
    %exp3A = math.exp %neg3A_41 : vector<2048x1xf32>
    %log1p3A = math.log1p %exp3A : vector<2048x1xf32>
    %sub3A_42 = arith.subf %min3A_38, %log1p3A : vector<2048x1xf32>
    %mul3A_43 = arith.mulf %abs3A, %abs3A : vector<2048x128xf32>
    %reduce_sum3A_44 = vector.shape_cast %mul3A_43 : vector<2048x128xf32> to vector<1x2048x128xf32>
    %reduce_sum3A_45 = arith.constant dense<0.000000e+00> : vector<1xf32>
    %reduce_sum3A_46 = vector.multi_reduction <add>, %reduce_sum3A_44, %reduce_sum3A_45 [1, 2] : vector<1x2048x128xf32> to vector<1xf32>
    %reduce_sum3A_47 = vector.shape_cast %reduce_sum3A_46 : vector<1xf32> to vector<1x1x1xf32>
    %reduce_sum3A_48 = vector.extract %reduce_sum3A_47[0, 0, 0] : f32 from vector<1x1x1xf32>
    %mul3A_49 = arith.mulf %abs3A_23, %abs3A_23 : vector<2048x128xf32>
    %reduce_sum3A_50 = vector.shape_cast %mul3A_49 : vector<2048x128xf32> to vector<1x2048x128xf32>
    %reduce_sum3A_51 = arith.constant dense<0.000000e+00> : vector<1xf32>
    %reduce_sum3A_52 = vector.multi_reduction <add>, %reduce_sum3A_50, %reduce_sum3A_51 [1, 2] : vector<1x2048x128xf32> to vector<1xf32>
    %reduce_sum3A_53 = vector.shape_cast %reduce_sum3A_52 : vector<1xf32> to vector<1x1x1xf32>
    %reduce_sum3A_54 = vector.extract %reduce_sum3A_53[0, 0, 0] : f32 from vector<1x1x1xf32>
    %add3A_55 = arith.addf %reduce_sum3A_48, %reduce_sum3A_54 : f32
    %mul3A_56 = arith.mulf %abs3A_13, %abs3A_13 : vector<2048x128xf32>
    %reduce_sum3A_57 = vector.shape_cast %mul3A_56 : vector<2048x128xf32> to vector<1x2048x128xf32>
    %reduce_sum3A_58 = arith.constant dense<0.000000e+00> : vector<1xf32>
    %reduce_sum3A_59 = vector.multi_reduction <add>, %reduce_sum3A_57, %reduce_sum3A_58 [1, 2] : vector<1x2048x128xf32> to vector<1xf32>
    %reduce_sum3A_60 = vector.shape_cast %reduce_sum3A_59 : vector<1xf32> to vector<1x1x1xf32>
    %reduce_sum3A_61 = vector.extract %reduce_sum3A_60[0, 0, 0] : f32 from vector<1x1x1xf32>
    %add3A_62 = arith.addf %add3A_55, %reduce_sum3A_61 : f32
    %mul3A_63 = arith.mulf %abs3A_19, %abs3A_19 : vector<2048x128xf32>
    %reduce_sum3A_64 = vector.shape_cast %mul3A_63 : vector<2048x128xf32> to vector<1x2048x128xf32>
    %reduce_sum3A_65 = arith.constant dense<0.000000e+00> : vector<1xf32>
    %reduce_sum3A_66 = vector.multi_reduction <add>, %reduce_sum3A_64, %reduce_sum3A_65 [1, 2] : vector<1x2048x128xf32> to vector<1xf32>
    %reduce_sum3A_67 = vector.shape_cast %reduce_sum3A_66 : vector<1xf32> to vector<1x1x1xf32>
    %reduce_sum3A_68 = vector.extract %reduce_sum3A_67[0, 0, 0] : f32 from vector<1x1x1xf32>
    %add3A_69 = arith.addf %add3A_62, %reduce_sum3A_68 : f32
    %get3A_70 = arith.constant 0 : index
    %get3A_71 = memref.load %arg7[%get3A_70] : memref<2xf32, #tpu.memory_space<smem>>
    %reduce_sum3A_72 = vector.shape_cast %sub3A_42 : vector<2048x1xf32> to vector<1x2048x1xf32>
    %reduce_sum3A_73 = arith.constant dense<0.000000e+00> : vector<1xf32>
    %reduce_sum3A_74 = vector.multi_reduction <add>, %reduce_sum3A_72, %reduce_sum3A_73 [1, 2] : vector<1x2048x1xf32> to vector<1xf32>
    %reduce_sum3A_75 = vector.shape_cast %reduce_sum3A_74 : vector<1xf32> to vector<1x1x1xf32>
    %reduce_sum3A_76 = vector.extract %reduce_sum3A_75[0, 0, 0] : f32 from vector<1x1x1xf32>
    %add3A_77 = arith.addf %get3A_71, %reduce_sum3A_76 : f32
    %swap3A = arith.constant 0 : index
    %swap3A_78 = memref.load %arg7[%swap3A] : memref<2xf32, #tpu.memory_space<smem>>
    memref.store %add3A_77, %arg7[%swap3A] : memref<2xf32, #tpu.memory_space<smem>>
    %get3A_79 = arith.constant 1 : index
    %get3A_80 = memref.load %arg7[%get3A_79] : memref<2xf32, #tpu.memory_space<smem>>
    %add3A_81 = arith.addf %get3A_80, %add3A_69 : f32
    %swap3A_82 = arith.constant 1 : index
    %swap3A_83 = memref.load %arg7[%swap3A_82] : memref<2xf32, #tpu.memory_space<smem>>
    memref.store %add3A_81, %arg7[%swap3A_82] : memref<2xf32, #tpu.memory_space<smem>>
    %eq3A_84 = arith.constant 3 : i32
    %eq3A_85 = arith.cmpi eq, %arg0, %eq3A_84 : i32
    %convert_element_type3A_86 = arith.extui %eq3A_85 : i1 to i32
    %cond3A_87 = arith.constant 0 : i32
    %cond3A_88 = arith.cmpi ne, %convert_element_type3A_86, %cond3A_87 : i32
    scf.if %cond3A_88 {
      %get3A_89 = arith.constant 0 : index
      %get3A_90 = memref.load %arg7[%get3A_89] : memref<2xf32, #tpu.memory_space<smem>>
      %swap3A_91 = arith.constant 0 : index
      %swap3A_92 = arith.constant 0 : index
      %swap3A_93 = memref.load %arg6[%swap3A_91, %swap3A_92] : memref<1x2xf32, #tpu.memory_space<smem>>
      memref.store %get3A_90, %arg6[%swap3A_91, %swap3A_92] : memref<1x2xf32, #tpu.memory_space<smem>>
      %get3A_94 = arith.constant 1 : index
      %get3A_95 = memref.load %arg7[%get3A_94] : memref<2xf32, #tpu.memory_space<smem>>
      %swap3A_96 = arith.constant 0 : index
      %swap3A_97 = arith.constant 1 : index
      %swap3A_98 = memref.load %arg6[%swap3A_96, %swap3A_97] : memref<1x2xf32, #tpu.memory_space<smem>>
      memref.store %get3A_95, %arg6[%swap3A_96, %swap3A_97] : memref<1x2xf32, #tpu.memory_space<smem>>
    } else {
    }
    return
  }
  func.func @transform_0(%arg0: i32) -> (i32, i32) {
    %c0_i32 = arith.constant 0 : i32
    %c0_i32_0 = arith.constant 0 : i32
    return %arg0, %c0_i32 : i32, i32
  }
  func.func @transform_1(%arg0: i32) -> (i32, i32) {
    %c0_i32 = arith.constant 0 : i32
    %c0_i32_0 = arith.constant 0 : i32
    return %arg0, %c0_i32 : i32, i32
  }
  func.func @transform_2(%arg0: i32) -> (i32, i32) {
    %c0_i32 = arith.constant 0 : i32
    %c0_i32_0 = arith.constant 0 : i32
    return %arg0, %c0_i32 : i32, i32
  }
  func.func @transform_3(%arg0: i32) -> (i32, i32) {
    %c0_i32 = arith.constant 0 : i32
    %c0_i32_0 = arith.constant 0 : i32
    return %arg0, %c0_i32 : i32, i32
  }
  func.func @transform_4(%arg0: i32) -> (i32, i32) {
    %c0_i32 = arith.constant 0 : i32
    %c0_i32_0 = arith.constant 0 : i32
    %c0_i32_1 = arith.constant 0 : i32
    return %c0_i32, %c0_i32_0 : i32, i32
  }
  func.func @transform_5(%arg0: i32) -> (i32, i32) {
    %c0_i32 = arith.constant 0 : i32
    %c0_i32_0 = arith.constant 0 : i32
    %c0_i32_1 = arith.constant 0 : i32
    return %c0_i32, %c0_i32_0 : i32, i32
  }
}

</mosaic_0001>

<sc_bundles>
// kernel: kernel.6.cloned.1.call-start
scs
__scs_entry_jumppad:
0x0: {  	(pc) =	sbr.rel $0x88, $3  }
0x1: {  	(tag) =	ssettag $0x0;
	lr =	simm.s32 $0x1  }
0x2: {  	[smem:$0x3F9A] =	sst lr;
	_ =	strace $0xD0000000  }
0x3: {  	_ = 	snop  }
0x4: {  	_ = 	snop  }
0x5: {  	_ = 	snop  }
0x6: {  	_ = 	snop  }
0x7: {  	_ = 	snop  }
__scs_overlays_trampoline_lowered:
0x8: {  	[smem:$0x3FA9] =	sst s0  }
0x9: {  	[smem:$0x3FAA] =	sst s1  }
0xa: {  	[smem:$0x3FAB] =	sst s2  }
0xb: {  	[smem:$0x3FAC] =	sst s3  }
0xc: {  	[smem:$0x3FAD] =	sst s4  }
0xd: {  	[smem:$0x3FAE] =	sst s5  }
0xe: {  	[smem:$0x3FAF] =	sst s6  }
0xf: {  	[smem:$0x3FB0] =	sst s7  }
0x10: {  	[smem:$0x3FB1] =	sst s8  }
0x11: {  	[smem:$0x3FB2] =	sst s9;
	s0 =	simm.s32 @!p0 $0x0  }
0x12: {  	s1 =	sld [smem:$0x3F98];
	s0 =	simm.s32 @p0 $0x1  }
0x13: {  	[smem:$0x3FB3] =	sst s0;
	s0 =	simm.s32 @!p1 $0x0  }
0x14: {  	s2 =	sld [smem:$0x3F97];
	s0 =	simm.s32 @p1 $0x1  }
0x15: {  	[smem:$0x3FB4] =	sst s0;
	s0 =	simm.s32 @!p2 $0x0  }
0x16: {  	s3 =	sld [smem:$0x3FDB];
	s0 =	simm.s32 @p2 $0x1  }
0x17: {  	s4 =	simm.s32 $0x1BF5;
	[smem:$0x3FB6] =	sst s0  }
0x18: {  	s0 =	sld [smem:$0x3F99];
	_ =	swait.ge [sflag:s4], $0x0  }
0x19: {  	s7 =	sld [smem:$0x3F9A]  }
0x1a: {  	s8 =	sadd.s32 $0xFFFFE003, lr  }
0x1b: {  	s9 =	sadd.s32 $0xFFFFFEF7, lr;
	s5 =	simm.s32 $0xFFFFFFFF;
	p2 =	slt.u32 s8, $0xFFFFF086  }
0x1c: {  	p1 =	slt.u32 s9, $0xF7A;
	s5 =	simm.s32 @!p2 $0x0  }
0x1d: {  	s5 =	simm.s32 @p1 $0x1;
	p0 =	seq.s32 s7, s2  }
0x1e: {  	s7 =	smul.u32 @!p0 $0xF7A, s2;
	p2 =	seq.s32 @!p0 s5, $0x0  }
0x1f: {  	s9 =	smul.u32 $0xF7A, s1;
	s8 =	simm.s32 @!p0 $0x1BF5;
	p2 =	por !p2, p0  }
0x20: {  	[sflag:s8] =	ssyncset.s32 @!p0 $0xFFFFF086;
	s6 =	sadd.s32 @!p0 s3, s7;
	s7 =	simm.s32 @!p0 $0x108  }
0x21: {  	s3 =	sadd.s32 s3, s9;
	s6 =	sadd.s32 @!p0 $0x88, s6;
	s7 =	simm.s32 @p2 $0x1082  }
0x22: {  	[simem:s7], [sflag:s8] =	dma.local @!p0 [hbm:s6], $0xF7A  }
0x23: {  	s9 =	sor.u32 $0xD0000000, s2;
	s6 =	simm.s32 $0x108;
	_ =	swait.ge @!p0 [sflag:s8], $0x0  }
0x24: {  	s3 =	sadd.s32 $0x88, s3;
	s6 =	simm.s32 @!p1 $0x1082;
	[sflag:s4] =	ssyncset.s32 $0xFFFFF086  }
0x25: {  	[simem:s6], [sflag:s4] =	dma.local [hbm:s3], $0xF7A  }
0x26: {  	[smem:$0x3F9A] =	sst s1;
	(tag) =	ssettag s2;
	_ =	strace s9  }
0x27: {  	s1 =	sld [smem:$0x3FAA]  }
0x28: {  	s2 =	sld [smem:$0x3FAB]  }
0x29: {  	s4 =	sld [smem:$0x3FAD]  }
0x2a: {  	p0 =	seq.s32 s5, $0x0;
	s5 =	sld [smem:$0x3FAE]  }
0x2b: {  	s6 =	sld [smem:$0x3FAF]  }
0x2c: {  	s7 =	sld [smem:$0x3FB0]  }
0x2d: {  	s3 =	simm.s32 $0x108;
	s8 =	sld [smem:$0x3FB1]  }
0x2e: {  	s3 =	simm.s32 @!p0 $0x1082;
	s9 =	sld [smem:$0x3FB2]  }
0x2f: {  	lr =	sadd.s32 s0, s3;
	s0 =	sld [smem:$0x3FA9]  }
0x30: {  	s3 =	sld [smem:$0x3FAC]  }
0x31: {  	[smem:$0x3FB5] =	sst s10  }
0x32: {  	s10 =	sld [smem:$0x3FB3];
	_ =	sdelay $0x3  }
0x33: {  	p0 =	seq.s32 s10, $0x1;
	s10 =	sld [smem:$0x3FB5];
	_ =	sdelay $0x3  }
0x34: {  	[smem:$0x3FB5] =	sst s10  }
0x35: {  	s10 =	sld [smem:$0x3FB4];
	_ =	sdelay $0x3  }
0x36: {  	p1 =	seq.s32 s10, $0x1;
	s10 =	sld [smem:$0x3FB5];
	_ =	sdelay $0x3  }
0x37: {  	[smem:$0x3FB5] =	sst s10  }
0x38: {  	s10 =	sld [smem:$0x3FB6]  }
0x39: {  	_ = 	snop;
	(pc) =	sbr.ind lr, $3  }
0x3a: {  	_ = 	snop  }
0x3b: {  	_ = 	snop  }
0x3c: {  	p2 =	seq.s32 s10, $0x1;
	s10 =	sld [smem:$0x3FB5]  }
0x3d: {  	_ =	shalt  }
0x3e: {  	_ =	shalt  }
0x3f: {  	_ =	shalt  }
0x40: {  	_ =	shalt  }
0x41: {  	_ =	shalt  }
0x42: {  	_ =	shalt  }
0x43: {  	_ =	shalt  }
0x44: {  	_ =	shalt  }
0x45: {  	_ =	shalt  }
0x46: {  	_ =	shalt  }
0x47: {  	_ =	shalt  }
0x48: {  	_ =	shalt  }
0x49: {  	_ =	shalt  }
0x4a: {  	_ =	shalt  }
0x4b: {  	_ =	shalt  }
0x4c: {  	_ =	shalt  }
0x4d: {  	_ =	shalt  }
0x4e: {  	_ =	shalt  }
0x4f: {  	_ =	shalt  }
0x50: {  	_ =	shalt  }
0x51: {  	_ =	shalt  }
0x52: {  	_ =	shalt  }
0x53: {  	_ =	shalt  }
0x54: {  	_ =	shalt  }
0x55: {  	_ =	shalt  }
0x56: {  	_ =	shalt  }
0x57: {  	_ =	shalt  }
0x58: {  	_ =	shalt  }
0x59: {  	_ =	shalt  }
0x5a: {  	_ =	shalt  }
0x5b: {  	_ =	shalt  }
0x5c: {  	_ =	shalt  }
0x5d: {  	_ =	shalt  }
0x5e: {  	_ =	shalt  }
0x5f: {  	_ =	shalt  }
0x60: {  	_ =	shalt  }
0x61: {  	_ =	shalt  }
0x62: {  	_ =	shalt  }
0x63: {  	_ =	shalt  }
0x64: {  	_ =	shalt  }
0x65: {  	_ =	shalt  }
0x66: {  	_ =	shalt  }
0x67: {  	_ =	shalt  }
0x68: {  	_ =	shalt  }
0x69: {  	_ =	shalt  }
0x6a: {  	_ =	shalt  }
0x6b: {  	_ =	shalt  }
0x6c: {  	_ =	shalt  }
0x6d: {  	_ =	shalt  }
0x6e: {  	_ =	shalt  }
0x6f: {  	_ =	shalt  }
0x70: {  	_ =	shalt  }
0x71: {  	_ =	shalt  }
0x72: {  	_ =	shalt  }
0x73: {  	_ =	shalt  }
0x74: {  	_ =	shalt  }
0x75: {  	_ =	shalt  }
0x76: {  	_ =	shalt  }
0x77: {  	_ =	shalt  }
0x78: {  	_ =	shalt  }
0x79: {  	_ =	shalt  }
0x7a: {  	_ =	shalt  }
0x7b: {  	_ =	shalt  }
0x7c: {  	_ =	shalt  }
0x7d: {  	_ =	shalt  }
0x7e: {  	_ =	shalt  }
0x7f: {  	_ =	shalt  }
0x80: {  	_ =	shalt  }
0x81: {  	_ =	shalt  }
0x82: {  	_ =	shalt  }
0x83: {  	_ =	shalt  }
0x84: {  	_ =	shalt  }
0x85: {  	_ =	shalt  }
0x86: {  	_ =	shalt  }
0x87: {  	_ =	shalt  }
.Lfunc_end0:
.L_simem_size_0:
called_computation_lowered:
.L_overlay_start_0:
0x88: {  	s2 =	sld [smem:$0x3FD9]  }
0x89: {  	s3 =	sld [smem:$0x3FFE];
	_ =	sdelay $0x1  }
0x8a: {  	s1 =	srdreg.scid  }
0x8b: {  	s0 =	sand.u32 $0x1, s1  }
0x8c: {  	s17 =	sshll.u32 s0, $0xA;
	s2 =	sadd.s32 s3, s2  }
0x8d: {  	s2 =	sadd.s32 s2, s17  }
0x8e: {  	[smem:$0x3FC1] =	sst s2  }
0x8f: {  	_ = 	snop  }
0x90: {  	s4 =	sld [smem:$0x3FC9]  }
0x91: {  	s18 =	sld [smem:$0x3FC8]  }
0x92: {  	s7 =	sld [smem:$0x3FC7]  }
0x93: {  	s8 =	sld [smem:$0x3FC6]  }
0x94: {  	s5 =	sld [smem:$0x3FC5]  }
0x95: {  	s6 =	sld [smem:$0x3FC4];
	(tm) =	ssettm $0x1  }
0x96: {  	s19 =	sld [smem:$0x3FFB];
	_ =	sdelay $0x3  }
0x97: {  	_ =	strace s19  }
0x98: {  	s2 =	sld [smem:$0x3FFC];
	_ =	sdelay $0x3  }
0x99: {  	_ =	strace s2  }
0x9a: {  	s2 =	sld [smem:$0x3FFD];
	_ =	sdelay $0x3  }
0x9b: {  	_ =	strace s2  }
0x9c: {  	_ =	strace $0x8FFFFFFF  }
0x9d: {  	s20 =	sld [smem:$0x3FDB];
	_ =	sdelay $0x1  }
0x9e: {  	s9 =	simm.s32 $_scs_section_size  }
0x9f: {  	s10 =	simm.s32 $_size__tile_overlayer_lowered;
	s11 =	simm.s32 $_tile_overlayer_lowered  }
0xa0: {  	s12 =	simm.s32 $0x1BFF;
	s21 =	sshll.u32 s11, $0x1;
	s9 =	sadd.s32 s9, s20  }
0xa1: {  	s22 =	simm.s32 $0x0;
	s10 =	sshll.u32 s10, $0x1;
	s11 =	sadd.s32 s21, s9  }
0xa2: {  	[timem:s22], [sflag:s12] =	dma.local [hbm:s11], s10  }
0xa3: {  	_ =	swait.ge [sflag:s12], s10  }
0xa4: {  	s10 =	ssub.s32 $0x0, s10;
	[sflag:s12] =	ssyncset.done $0x0  }
0xa5: {  	[sflag:s12] =	ssyncadd.s32 s10;
	_ =	sdelay $0x1  }
0xa6: {  	s23 =	simm.s32 $0x1B8B  }
0xa7: {  	_ =	swait.ge [sflag:s23], $0x1  }
0xa8: {  	[sflag:s23] =	ssyncset.done $0x0  }
0xa9: {  	[sflag:s23] =	ssyncadd.s32 $0xFFFFFFFF  }
0xaa: {  	s10 =	sld [smem:$0x0]  }
0xab: {  	s11 =	sand.u32 $0xFFFFFFFE, s1  }
0xac: {  	p0 =	sne.s32 s1, s11  }
0xad: {  	s11 =	sshll.u32 @p0 s11, $0xE  }
0xae: {  	s11 =	sadd.s32 @p0 $0x11B8D, s11;
	s12 =	sshll.u32 @p0 s10, $0x11  }
0xaf: {  	s11 =	sor.u32 @p0 s12, s11  }
0xb0: {  	[sflag:s11] =	ssyncadd.remote.s32 @p0 $0x1;
	_ =	sdelay $0x1  }
0xb1: {  	s11 =	simm.s32 @p0 $0x1B8D  }
0xb2: {  	_ =	swait.eq @p0 [sflag:s11], $0x1  }
0xb3: {  	[sflag:s11] =	ssyncadd.s32 @p0 $0xFFFFFFFF  }
0xb4: {  	s12 =	sshll.u32 @!p0 s1, $0xE  }
0xb5: {  	s12 =	sor.u32 @!p0 $0x4000, s12;
	s11 =	simm.s32 @!p0 $0x1B8D  }
0xb6: {  	s10 =	sshll.u32 @!p0 s10, $0x11;
	s12 =	sadd.s32 @!p0 $0x11B8D, s12;
	_ =	swait.eq @!p0 [sflag:s11], $0x1  }
0xb7: {  	s10 =	sor.u32 @!p0 s10, s12;
	[sflag:s11] =	ssyncadd.s32 @!p0 $0xFFFFFFFF  }
0xb8: {  	s25 =	simm.s32 $0x1B8E;
	s24 =	sld [smem:$0x3FFE];
	[sflag:s10] =	ssyncadd.remote.s32 @!p0 $0x1  }
0xb9: {  	s26 =	simm.s32 $execute0_lowered;
	[smem:$0x3FD2] =	sst s25  }
0xba: {  	s11 =	sshll.u32 s26, $0x1;
	_ =	strace $0x80000049;
	[dreg:$0x1] =	wrdreg $0xFFFFFFFF  }
0xbb: {  	s28 =	simm.s32 $_size_execute0_lowered;
	s9 =	sadd.s32 s9, s11;
	[dreg:$0x0] =	wrdreg $0x0  }
0xbc: {  	s11 =	sshll.u32 s28, $0x1;
	[dreg:$0x2] =	wrdreg s9  }
0xbd: {  	[dreg:$0x3] =	wrdreg s11  }
0xbe: {  	[dreg:$0x4] =	wrdreg $0xC0  }
0xbf: {  	_ =	task [dreg:s22], $0x5FFFF  }
0xc0: {  	[dreg:$0x1] =	wrdreg $0xFFFFFFFF  }
0xc1: {  	[dreg:$0x0] =	wrdreg $0x60  }
0xc2: {  	[dreg:$0x2] =	wrdreg s4  }
0xc3: {  	[dreg:$0x3] =	wrdreg s7  }
0xc4: {  	[dreg:$0x4] =	wrdreg s8  }
0xc5: {  	[dreg:$0x5] =	wrdreg s18  }
0xc6: {  	[dreg:$0x6] =	wrdreg s5  }
0xc7: {  	[dreg:$0x7] =	wrdreg s6  }
0xc8: {  	[dreg:$0x8] =	wrdreg s24  }
0xc9: {  	[dreg:$0x9] =	wrdreg $0x104000  }
0xca: {  	[dreg:$0xa] =	wrdreg $0x9  }
0xcb: {  	_ =	task.clear_ibuf [dreg:s22], $0xBFFFF;
	_ =	strace $0x90000049  }
0xcc: {  	s29 =	simm.s32 $0x9;
	_ =	strace $0x8000004B  }
0xcd: {  	_ =	swait.ge [sflag:s29], $0x1  }
0xce: {  	[sflag:s29] =	ssyncadd.s32 $0xFFFFFFFF  }
0xcf: {  	_ =	strace $0x9000004B  }
0xd0: {  	_ =	sfence  }
0xd1: {  	s30 =	sld [smem:$0x0];
	_ =	sdelay $0x2  }
0xd2: {  	s31 =	sshll.u32 s1, $0xD;
	s1 =	sshrl.u32 s1, $0x2  }
0xd3: {  	s4 =	sand.u32 $0x4000, s31;
	s1 =	sadd.s32 s1, s30  }
0xd4: {  	s0 =	sor.u32 s4, s0;
	s1 =	sshll.u32 s1, $0x11  }
0xd5: {  	s0 =	sor.u32 s1, s0  }
0xd6: {  	s0 =	sadd.s32 $0x8F2B, s0  }
0xd7: {  	[sflag:s0] =	ssyncadd.remote.s32 $0x1  }
0xd8: {  	_ =	sfence.sel $0xFFFF  }
0xd9: {  	[dreg:$0x0] =	wrdreg $0xFFFFFFFF;
	(pc) =	sbr.abs _section_cstart, $3  }
0xda: {  	[dreg:$0x1] =	wrdreg $0xFFFFFFFF  }
0xdb: {  	_ =	task.clear_ibuf [dreg:s22], $0x2FFFF;
	_ =	strace $0x9FFFFFFF  }
0xdc: {  	(tm) =	ssettm $0x7FFFFFFF  }
0xdd: {  	_ =	shalt  }
tec
execute0_lowered:
.L_overlay_start_1:
0x0: {  	(tag) =	ssettag $0x1  }
0x1: {  	s0 =	rddreg [dreg:$0x0]  }
0x2: {  	s4 =	rddreg [dreg:$0x1]  }
0x3: {  	s5 =	rddreg [dreg:$0x2]  }
0x4: {  	s6 =	rddreg [dreg:$0x3]  }
0x5: {  	s3 =	rddreg [dreg:$0x4]  }
0x6: {  	s1 =	rddreg [dreg:$0x5]  }
0x7: {  	s7 =	rddreg [dreg:$0x6]  }
0x8: {  	s2 =	rddreg [dreg:$0x7];
	s26 =	srdreg.scid  }
0x9: {  	s30 =	rddreg [dreg:$0x8];
	s8 =	stileid.u32  }
0xa: {  	s24 =	simm.s32 $0x5;
	s19 =	simm.s32 $0x100;
	s16 =	simm.s32 $0x200  }
0xb: {  	s18 =	simm.s32 $0x4400;
	s23 =	simm.s32 $0x180;
	s14 =	simm.s32 $0xC400  }
0xc: {  	p1 =	por $0x0, $0x0;
	s20 =	simm.s32 $0x280;
	s15 =	simm.s32 $0x380  }
0xd: {  	[dreg:$0x9] =	wrdreg s1;
	s9 =	sand.u32 $0x1, s26;
	s1 =	simm.s32 $0x0  }
0xe: {  	s10 =	sshll.u32 s8, $0x9;
	s11 =	sshll.u32 s9, $0x8;
	s9 =	ssub.s32 $0x2, s9  }
0xf: {  	p0 =	sne.s32 s8, $0x0;
	s8 =	simm.s32 $0x2;
	s12 =	sshrl.u32 s9, $0x1  }
0x10: {  	[smem:$0x7FF] =	sst s1;
	s28 =	sshrl.u32 @!p0 s2, $0x3;
	s9 =	ssub.s32 s9, s12  }
0x11: {  	s10 =	sor.u32 s11, s10;
	_ =	strace $0x8000004A;
	s29 =	smax.u32 s9, $0x1  }
0x12: {  	s11 =	sshll.u32 s10, $0x4;
	s10 =	sshrl.u32 s10, $0x3;
	s31 =	sadd.s32 $0xFFFFFFFF, s29  }
0x13: {  	s12 =	simm.s32 $0x400;
	s7 =	sadd.s32 s11, s7;
	p2 =	sne.s32 s31, $0x0  }
.Ltmp0:
0x14: {  	s26 =	sadd.s32 s0, s10;
	s25 =	sadd.s32 s4, s10;
	(pc) =	sbr.rel @!p2 .LBB2_5-.Ltmp0, $4  }
0x15: {  	s22 =	sadd.s32 s5, s10;
	s21 =	sadd.s32 s6, s10;
	s10 =	simm.s32 $0x300  }
0x16: {  	s11 =	simm.s32 $0x80;
	s6 =	simm.s32 $0x1;
	s9 =	simm.s32 $0x3  }
0x17: {  	s0 =	rddreg [dreg:$0x9];
	s17 =	sadd.s32 $0x82400, s7;
	s13 =	sadd.s32 $0xA2400, s7  }
0x18: {  	s5 =	sadd.s32 $0xC2400, s7;
	s4 =	sadd.s32 $0xE2400, s7;
	s7 =	simm.s32 $0x8400  }
0x19: {  	s29 =	simm.s32 @!p0 $0x1C04  }
0x1a: {  	[spmem:s28], [sflag:s29] =	dma.local @!p0 [hbm:s0], $0x3E80  }
0x1b: {  	[tilespmem:s1], [sflag:$0x5] =	stream.linear.gather [hbm4b:s26+s1], $0x100, $0x38;
	[tilespmem:$0x12340] =	vst v63  }
0x1c: {  	_ =	swait.ge [sflag:s24], $0x100  }
0x1d: {  	[sflag:s24] =	ssyncset.done $0x0  }
0x1e: {  	[sflag:s24] =	ssyncadd.s32 $0xFFFFFF00  }
0x1f: {  	[tilespmem:s19], [sflag:$0x5] =	stream.linear.gather [hbm4b:s25+s1], $0x100, $0x38;
	[tilespmem:$0x12340] =	vst v63  }
0x20: {  	_ =	swait.ge [sflag:s24], $0x100  }
0x21: {  	[sflag:s24] =	ssyncset.done $0x0  }
0x22: {  	[sflag:s24] =	ssyncadd.s32 $0xFFFFFF00  }
0x23: {  	[tilespmem:s16], [sflag:$0x5] =	stream.linear.gather [hbm4b:s22+s1], $0x100, $0x38;
	[tilespmem:$0x12340] =	vst v63  }
0x24: {  	_ =	swait.ge [sflag:s24], $0x100  }
0x25: {  	[sflag:s24] =	ssyncset.done $0x0  }
0x26: {  	[sflag:s24] =	ssyncadd.s32 $0xFFFFFF00  }
0x27: {  	[tilespmem:s10], [sflag:$0x5] =	stream.linear.gather [hbm4b:s21+s1], $0x100, $0x38;
	[tilespmem:$0x12340] =	vst v63  }
0x28: {  	_ =	swait.ge [sflag:s24], $0x100  }
0x29: {  	[sflag:s24] =	ssyncset.done $0x0  }
0x2a: {  	[sflag:s24] =	ssyncadd.s32 $0xFFFFFF00  }
0x2b: {  	[tilespmem:s12], [sflag:$0x1] =	stream.indirect.gather [hbm4b:s3+s11], $0x80, s1, s11, $0xb8;
	[tilespmem:$0x12340] =	vst v63  }
0x2c: {  	_ = 	snop  }
0x2d: {  	[tilespmem:s18], [sflag:$0x1] =	stream.indirect.gather [hbm4b:s3+s11], $0x80, s11, s11, $0xb8;
	[tilespmem:$0x12340] =	vst v63  }
0x2e: {  	_ =	swait.ge [sflag:s6], $0x4000  }
0x2f: {  	[sflag:s6] =	ssyncset.done $0x0  }
0x30: {  	[sflag:s6] =	ssyncadd.s32 $0xFFFFC000  }
0x31: {  	_ =	swait.ge [sflag:s6], $0x4000  }
0x32: {  	[sflag:s6] =	ssyncset.done $0x0  }
0x33: {  	[sflag:s6] =	ssyncadd.s32 $0xFFFFC000  }
0x34: {  	[tilespmem:s7], [sflag:$0x1] =	stream.indirect.gather [hbm4b:s3+s11], $0x80, s19, s11, $0xb8;
	[tilespmem:$0x12340] =	vst v63  }
0x35: {  	_ = 	snop  }
0x36: {  	[tilespmem:s14], [sflag:$0x1] =	stream.indirect.gather [hbm4b:s3+s11], $0x80, s23, s11, $0xb8;
	[tilespmem:$0x12340] =	vst v63  }
0x37: {  	_ = 	snop  }
0x38: {  	[hbm4b:s17+s1] =	stream.linear.scatter [tilespmem:s12], [sflag:$0x2], $0x8000, $0x38;
	[tilespmem:$0x12340] =	vst v63  }
0x39: {  	_ =	swait.ge [sflag:s6], $0x4000  }
0x3a: {  	[sflag:s6] =	ssyncset.done $0x0  }
0x3b: {  	[sflag:s6] =	ssyncadd.s32 $0xFFFFC000  }
0x3c: {  	_ =	swait.ge [sflag:s6], $0x4000  }
0x3d: {  	[sflag:s6] =	ssyncset.done $0x0  }
0x3e: {  	[sflag:s6] =	ssyncadd.s32 $0xFFFFC000  }
0x3f: {  	_ =	swait.ge [sflag:s8], $0x8000  }
0x40: {  	[sflag:s8] =	ssyncset.done $0x0  }
0x41: {  	[sflag:s8] =	ssyncadd.s32 $0xFFFF8000  }
0x42: {  	[tilespmem:s12], [sflag:$0x1] =	stream.indirect.gather [hbm4b:s3+s11], $0x80, s16, s11, $0xb8;
	[tilespmem:$0x12340] =	vst v63  }
0x43: {  	_ = 	snop  }
0x44: {  	[tilespmem:s18], [sflag:$0x1] =	stream.indirect.gather [hbm4b:s3+s11], $0x80, s20, s11, $0xb8;
	[tilespmem:$0x12340] =	vst v63  }
0x45: {  	_ = 	snop  }
0x46: {  	[hbm4b:s13+s1] =	stream.linear.scatter [tilespmem:s7], [sflag:$0x3], $0x8000, $0x38;
	[tilespmem:$0x12340] =	vst v63  }
0x47: {  	_ =	swait.ge [sflag:s6], $0x4000  }
0x48: {  	[sflag:s6] =	ssyncset.done $0x0  }
0x49: {  	[sflag:s6] =	ssyncadd.s32 $0xFFFFC000  }
0x4a: {  	_ =	swait.ge [sflag:s6], $0x4000  }
0x4b: {  	[sflag:s6] =	ssyncset.done $0x0  }
0x4c: {  	s30 =	simm.s32 @!p0 $0x4;
	[sflag:s6] =	ssyncadd.s32 $0xFFFFC000  }
0x4d: {  	_ =	swait.ge @!p0 [sflag:s30], $0x3E80  }
0x4e: {  	[sflag:s30] =	ssyncset.done @!p0 $0x0  }
0x4f: {  	[sflag:s30] =	ssyncadd.s32 @!p0 $0xFFFFC180  }
0x50: {  	[bflag:$0x0] =	sbarrier.arrive $0xFFFF  }
0x51: {  	_ =	swait.ge [sflag:s9], $0x8000  }
0x52: {  	[sflag:s9] =	ssyncset.done $0x0  }
0x53: {  	[sflag:s9] =	ssyncadd.s32 $0xFFFF8000  }
0x54: {  	[tilespmem:s7], [sflag:$0x1] =	stream.indirect.gather [spmem:s2], $0x80, s10, s11, $0xb8;
	[tilespmem:$0x12340] =	vst v63  }
0x55: {  	_ = 	snop  }
0x56: {  	[tilespmem:s14], [sflag:$0x1] =	stream.indirect.gather [spmem:s2], $0x80, s15, s11, $0xb8;
	[tilespmem:$0x12340] =	vst v63  }
0x57: {  	_ = 	snop  }
0x58: {  	[hbm4b:s5+s1] =	stream.linear.scatter [tilespmem:s12], [sflag:$0x2], $0x8000, $0x38;
	[tilespmem:$0x12340] =	vst v63  }
0x59: {  	_ =	swait.ge [sflag:s6], $0x4000  }
0x5a: {  	[sflag:s6] =	ssyncset.done $0x0  }
0x5b: {  	[sflag:s6] =	ssyncadd.s32 $0xFFFFC000  }
0x5c: {  	_ =	swait.ge [sflag:s6], $0x4000  }
0x5d: {  	s31 =	sadd.s32 $0xFFFFFFFF, s31;
	[sflag:s6] =	ssyncset.done $0x0  }
0x5e: {  	p2 =	sne.s32 s31, $0x0;
	[sflag:s6] =	ssyncadd.s32 $0xFFFFC000  }
0x5f: {  	[hbm4b:s4+s1] =	stream.linear.scatter [tilespmem:s7], [sflag:$0x3], $0x8000, $0x38;
	[tilespmem:$0x12340] =	vst v63  }
.Ltmp1:
0x60: {  	_ =	swait.ge [sflag:s8], $0x8000;
	(pc) =	sbr.rel @!p2 .LBB2_2-.Ltmp1, $4  }
0x61: {  	[sflag:s8] =	ssyncset.done $0x0  }
0x62: {  	[sflag:s8] =	ssyncadd.s32 $0xFFFF8000  }
0x63: {  	_ =	swait.ge [sflag:s9], $0x8000  }
0x64: {  	p1 =	por $0x1, $0x1;
	s0 =	rddreg [dreg:$0x9];
	[sflag:s9] =	ssyncset.done $0x0  }
.LBB2_3:
0x65: {  	[sflag:s9] =	ssyncadd.s32 $0xFFFF8000  }
0x66: {  	[spmem:s28], [sflag:s29] =	dma.local @!p0 [hbm:s0], $0x3E80  }
0x67: {  	[tilespmem:s1], [sflag:$0x5] =	stream.linear.gather [hbm4b:s26+s1], $0x100, $0x38;
	[tilespmem:$0x12340] =	vst v63  }
0x68: {  	_ =	swait.ge [sflag:s24], $0x100  }
0x69: {  	[sflag:s24] =	ssyncset.done $0x0  }
0x6a: {  	[sflag:s24] =	ssyncadd.s32 $0xFFFFFF00  }
0x6b: {  	[tilespmem:s19], [sflag:$0x5] =	stream.linear.gather [hbm4b:s25+s1], $0x100, $0x38;
	[tilespmem:$0x12340] =	vst v63  }
0x6c: {  	_ =	swait.ge [sflag:s24], $0x100  }
0x6d: {  	[sflag:s24] =	ssyncset.done $0x0  }
0x6e: {  	[sflag:s24] =	ssyncadd.s32 $0xFFFFFF00  }
0x6f: {  	[tilespmem:s16], [sflag:$0x5] =	stream.linear.gather [hbm4b:s22+s1], $0x100, $0x38;
	[tilespmem:$0x12340] =	vst v63  }
0x70: {  	_ =	swait.ge [sflag:s24], $0x100  }
0x71: {  	[sflag:s24] =	ssyncset.done $0x0  }
0x72: {  	[sflag:s24] =	ssyncadd.s32 $0xFFFFFF00  }
0x73: {  	[tilespmem:s10], [sflag:$0x5] =	stream.linear.gather [hbm4b:s21+s1], $0x100, $0x38;
	[tilespmem:$0x12340] =	vst v63  }
0x74: {  	_ =	swait.ge [sflag:s24], $0x100  }
0x75: {  	[sflag:s24] =	ssyncset.done $0x0  }
0x76: {  	[sflag:s24] =	ssyncadd.s32 $0xFFFFFF00  }
0x77: {  	[tilespmem:s12], [sflag:$0x1] =	stream.indirect.gather [hbm4b:s3+s11], $0x80, s1, s11, $0xb8;
	[tilespmem:$0x12340] =	vst v63  }
0x78: {  	_ = 	snop  }
0x79: {  	[tilespmem:s18], [sflag:$0x1] =	stream.indirect.gather [hbm4b:s3+s11], $0x80, s11, s11, $0xb8;
	[tilespmem:$0x12340] =	vst v63  }
0x7a: {  	_ =	swait.ge [sflag:s6], $0x4000  }
0x7b: {  	[sflag:s6] =	ssyncset.done $0x0  }
0x7c: {  	[sflag:s6] =	ssyncadd.s32 $0xFFFFC000  }
0x7d: {  	_ =	swait.ge [sflag:s6], $0x4000  }
0x7e: {  	[sflag:s6] =	ssyncset.done $0x0  }
0x7f: {  	[sflag:s6] =	ssyncadd.s32 $0xFFFFC000  }
0x80: {  	[tilespmem:s7], [sflag:$0x1] =	stream.indirect.gather [hbm4b:s3+s11], $0x80, s19, s11, $0xb8;
	[tilespmem:$0x12340] =	vst v63  }
0x81: {  	_ = 	snop  }
0x82: {  	[tilespmem:s14], [sflag:$0x1] =	stream.indirect.gather [hbm4b:s3+s11], $0x80, s23, s11, $0xb8;
	[tilespmem:$0x12340] =	vst v63  }
0x83: {  	_ = 	snop  }
0x84: {  	[hbm4b:s17+s1] =	stream.linear.scatter [tilespmem:s12], [sflag:$0x2], $0x8000, $0x38;
	[tilespmem:$0x12340] =	vst v63  }
0x85: {  	_ =	swait.ge [sflag:s6], $0x4000  }
0x86: {  	[sflag:s6] =	ssyncset.done $0x0  }
0x87: {  	[sflag:s6] =	ssyncadd.s32 $0xFFFFC000  }
0x88: {  	_ =	swait.ge [sflag:s6], $0x4000  }
0x89: {  	[sflag:s6] =	ssyncset.done $0x0  }
0x8a: {  	[sflag:s6] =	ssyncadd.s32 $0xFFFFC000  }
0x8b: {  	_ =	swait.ge [sflag:s8], $0x8000  }
0x8c: {  	[sflag:s8] =	ssyncset.done $0x0  }
0x8d: {  	[sflag:s8] =	ssyncadd.s32 $0xFFFF8000  }
0x8e: {  	[tilespmem:s12], [sflag:$0x1] =	stream.indirect.gather [hbm4b:s3+s11], $0x80, s16, s11, $0xb8;
	[tilespmem:$0x12340] =	vst v63  }
0x8f: {  	_ = 	snop  }
0x90: {  	[tilespmem:s18], [sflag:$0x1] =	stream.indirect.gather [hbm4b:s3+s11], $0x80, s20, s11, $0xb8;
	[tilespmem:$0x12340] =	vst v63  }
0x91: {  	_ = 	snop  }
0x92: {  	[hbm4b:s13+s1] =	stream.linear.scatter [tilespmem:s7], [sflag:$0x3], $0x8000, $0x38;
	[tilespmem:$0x12340] =	vst v63  }
0x93: {  	_ =	swait.ge [sflag:s6], $0x4000  }
0x94: {  	[sflag:s6] =	ssyncset.done $0x0  }
0x95: {  	[sflag:s6] =	ssyncadd.s32 $0xFFFFC000  }
0x96: {  	_ =	swait.ge [sflag:s6], $0x4000  }
0x97: {  	[sflag:s6] =	ssyncset.done $0x0  }
0x98: {  	[sflag:s6] =	ssyncadd.s32 $0xFFFFC000  }
0x99: {  	_ =	swait.ge @!p0 [sflag:s30], $0x3E80  }
0x9a: {  	[sflag:s30] =	ssyncset.done @!p0 $0x0  }
0x9b: {  	[sflag:s30] =	ssyncadd.s32 @!p0 $0xFFFFC180  }
0x9c: {  	[bflag:$0x0] =	sbarrier.arrive $0xFFFF  }
0x9d: {  	_ =	swait.ge [sflag:s9], $0x8000  }
0x9e: {  	[sflag:s9] =	ssyncset.done $0x0  }
0x9f: {  	[sflag:s9] =	ssyncadd.s32 $0xFFFF8000  }
0xa0: {  	[tilespmem:s7], [sflag:$0x1] =	stream.indirect.gather [spmem:s2], $0x80, s10, s11, $0xb8;
	[tilespmem:$0x12340] =	vst v63  }
0xa1: {  	_ = 	snop  }
0xa2: {  	[tilespmem:s14], [sflag:$0x1] =	stream.indirect.gather [spmem:s2], $0x80, s15, s11, $0xb8;
	[tilespmem:$0x12340] =	vst v63  }
0xa3: {  	_ = 	snop  }
0xa4: {  	[hbm4b:s5+s1] =	stream.linear.scatter [tilespmem:s12], [sflag:$0x2], $0x8000, $0x38;
	[tilespmem:$0x12340] =	vst v63  }
0xa5: {  	_ =	swait.ge [sflag:s6], $0x4000  }
0xa6: {  	[sflag:s6] =	ssyncset.done $0x0  }
0xa7: {  	[sflag:s6] =	ssyncadd.s32 $0xFFFFC000  }
0xa8: {  	_ =	swait.ge [sflag:s6], $0x4000  }
0xa9: {  	s31 =	sadd.s32 $0xFFFFFFFF, s31;
	[sflag:s6] =	ssyncset.done $0x0  }
0xaa: {  	p2 =	sne.s32 s31, $0x0;
	[sflag:s6] =	ssyncadd.s32 $0xFFFFC000  }
0xab: {  	[hbm4b:s4+s1] =	stream.linear.scatter [tilespmem:s7], [sflag:$0x3], $0x8000, $0x38;
	[tilespmem:$0x12340] =	vst v63  }
.Ltmp2:
0xac: {  	_ =	swait.ge [sflag:s8], $0x8000;
	(pc) =	sbr.rel @p2 .LBB2_3-.Ltmp2, $4  }
0xad: {  	[sflag:s8] =	ssyncset.done $0x0  }
0xae: {  	[sflag:s8] =	ssyncadd.s32 $0xFFFF8000  }
0xaf: {  	_ =	swait.ge [sflag:s9], $0x8000  }
0xb0: {  	s0 =	rddreg [dreg:$0x9];
	[sflag:s9] =	ssyncset.done $0x0  }
0xb1: {  	s30 =	rddreg [dreg:$0x8]  }
.LBB2_5:
0xb2: {  	[sflag:s9] =	ssyncadd.s32 @p1 $0xFFFF8000;
	s29 =	simm.s32 @!p0 $0x1C04  }
0xb3: {  	[spmem:s28], [sflag:s29] =	dma.local @!p0 [hbm:s0], $0x3E80  }
0xb4: {  	[tilespmem:s1], [sflag:$0x5] =	stream.linear.gather [hbm4b:s26+s1], $0x100, $0x38;
	[tilespmem:$0x12340] =	vst v63  }
0xb5: {  	_ =	swait.ge [sflag:s24], $0x100  }
0xb6: {  	[sflag:s24] =	ssyncset.done $0x0  }
0xb7: {  	[sflag:s24] =	ssyncadd.s32 $0xFFFFFF00  }
0xb8: {  	[tilespmem:s19], [sflag:$0x5] =	stream.linear.gather [hbm4b:s25+s1], $0x100, $0x38;
	[tilespmem:$0x12340] =	vst v63  }
0xb9: {  	_ =	swait.ge [sflag:s24], $0x100  }
0xba: {  	[sflag:s24] =	ssyncset.done $0x0  }
0xbb: {  	[sflag:s24] =	ssyncadd.s32 $0xFFFFFF00  }
0xbc: {  	[tilespmem:s16], [sflag:$0x5] =	stream.linear.gather [hbm4b:s22+s1], $0x100, $0x38;
	[tilespmem:$0x12340] =	vst v63  }
0xbd: {  	_ =	swait.ge [sflag:s24], $0x100  }
0xbe: {  	[sflag:s24] =	ssyncset.done $0x0  }
0xbf: {  	[sflag:s24] =	ssyncadd.s32 $0xFFFFFF00  }
0xc0: {  	[tilespmem:s10], [sflag:$0x5] =	stream.linear.gather [hbm4b:s21+s1], $0x100, $0x38;
	[tilespmem:$0x12340] =	vst v63  }
0xc1: {  	_ =	swait.ge [sflag:s24], $0x100  }
0xc2: {  	[sflag:s24] =	ssyncset.done $0x0  }
0xc3: {  	[sflag:s24] =	ssyncadd.s32 $0xFFFFFF00  }
0xc4: {  	[tilespmem:s12], [sflag:$0x1] =	stream.indirect.gather [hbm4b:s3+s11], $0x80, s1, s11, $0xb8;
	[tilespmem:$0x12340] =	vst v63  }
0xc5: {  	_ = 	snop  }
0xc6: {  	[tilespmem:s18], [sflag:$0x1] =	stream.indirect.gather [hbm4b:s3+s11], $0x80, s11, s11, $0xb8;
	[tilespmem:$0x12340] =	vst v63  }
0xc7: {  	_ =	swait.ge [sflag:s6], $0x4000  }
0xc8: {  	[sflag:s6] =	ssyncset.done $0x0  }
0xc9: {  	[sflag:s6] =	ssyncadd.s32 $0xFFFFC000  }
0xca: {  	_ =	swait.ge [sflag:s6], $0x4000  }
0xcb: {  	[sflag:s6] =	ssyncset.done $0x0  }
0xcc: {  	[sflag:s6] =	ssyncadd.s32 $0xFFFFC000  }
0xcd: {  	[tilespmem:s7], [sflag:$0x1] =	stream.indirect.gather [hbm4b:s3+s11], $0x80, s19, s11, $0xb8;
	[tilespmem:$0x12340] =	vst v63  }
0xce: {  	_ = 	snop  }
0xcf: {  	[tilespmem:s14], [sflag:$0x1] =	stream.indirect.gather [hbm4b:s3+s11], $0x80, s23, s11, $0xb8;
	[tilespmem:$0x12340] =	vst v63  }
0xd0: {  	_ = 	snop  }
0xd1: {  	[hbm4b:s17+s1] =	stream.linear.scatter [tilespmem:s12], [sflag:$0x2], $0x8000, $0x38;
	[tilespmem:$0x12340] =	vst v63  }
0xd2: {  	_ =	swait.ge [sflag:s6], $0x4000  }
0xd3: {  	[sflag:s6] =	ssyncset.done $0x0  }
0xd4: {  	[sflag:s6] =	ssyncadd.s32 $0xFFFFC000  }
0xd5: {  	_ =	swait.ge [sflag:s6], $0x4000  }
0xd6: {  	[sflag:s6] =	ssyncset.done $0x0  }
0xd7: {  	[sflag:s6] =	ssyncadd.s32 $0xFFFFC000  }
0xd8: {  	_ =	swait.ge [sflag:s8], $0x8000  }
0xd9: {  	[sflag:s8] =	ssyncset.done $0x0  }
0xda: {  	[sflag:s8] =	ssyncadd.s32 $0xFFFF8000  }
0xdb: {  	[tilespmem:s12], [sflag:$0x1] =	stream.indirect.gather [hbm4b:s3+s11], $0x80, s16, s11, $0xb8;
	[tilespmem:$0x12340] =	vst v63  }
0xdc: {  	_ = 	snop  }
0xdd: {  	[tilespmem:s18], [sflag:$0x1] =	stream.indirect.gather [hbm4b:s3+s11], $0x80, s20, s11, $0xb8;
	[tilespmem:$0x12340] =	vst v63  }
0xde: {  	_ = 	snop  }
0xdf: {  	[hbm4b:s13+s1] =	stream.linear.scatter [tilespmem:s7], [sflag:$0x3], $0x8000, $0x38;
	[tilespmem:$0x12340] =	vst v63  }
0xe0: {  	_ =	swait.ge [sflag:s6], $0x4000  }
0xe1: {  	[sflag:s6] =	ssyncset.done $0x0  }
0xe2: {  	[sflag:s6] =	ssyncadd.s32 $0xFFFFC000  }
0xe3: {  	_ =	swait.ge [sflag:s6], $0x4000  }
0xe4: {  	[sflag:s6] =	ssyncset.done $0x0  }
0xe5: {  	s0 =	simm.s32 @!p0 $0x4;
	[sflag:s6] =	ssyncadd.s32 $0xFFFFC000  }
0xe6: {  	_ =	swait.ge @!p0 [sflag:s0], $0x3E80  }
0xe7: {  	[sflag:s0] =	ssyncset.done @!p0 $0x0  }
0xe8: {  	[sflag:s0] =	ssyncadd.s32 @!p0 $0xFFFFC180  }
0xe9: {  	[bflag:$0x0] =	sbarrier.arrive $0xFFFF  }
0xea: {  	_ =	swait.ge [sflag:s9], $0x8000  }
0xeb: {  	[sflag:s9] =	ssyncset.done $0x0  }
0xec: {  	[sflag:s9] =	ssyncadd.s32 $0xFFFF8000  }
0xed: {  	[tilespmem:s7], [sflag:$0x1] =	stream.indirect.gather [spmem:s2], $0x80, s10, s11, $0xb8;
	[tilespmem:$0x12340] =	vst v63  }
0xee: {  	_ = 	snop  }
0xef: {  	[tilespmem:s14], [sflag:$0x1] =	stream.indirect.gather [spmem:s2], $0x80, s15, s11, $0xb8;
	[tilespmem:$0x12340] =	vst v63  }
0xf0: {  	_ = 	snop  }
0xf1: {  	[hbm4b:s5+s1] =	stream.linear.scatter [tilespmem:s12], [sflag:$0x2], $0x8000, $0x38;
	[tilespmem:$0x12340] =	vst v63  }
0xf2: {  	_ =	swait.ge [sflag:s6], $0x4000  }
0xf3: {  	[sflag:s6] =	ssyncset.done $0x0  }
0xf4: {  	[sflag:s6] =	ssyncadd.s32 $0xFFFFC000  }
0xf5: {  	_ =	swait.ge [sflag:s6], $0x4000  }
0xf6: {  	[sflag:s6] =	ssyncset.done $0x0  }
0xf7: {  	[sflag:s6] =	ssyncadd.s32 $0xFFFFC000  }
0xf8: {  	[hbm4b:s4+s1] =	stream.linear.scatter [tilespmem:s7], [sflag:$0x3], $0x8000, $0x38;
	[tilespmem:$0x12340] =	vst v63  }
0xf9: {  	_ =	swait.ge [sflag:s8], $0x8000  }
0xfa: {  	[sflag:s8] =	ssyncset.done $0x0  }
0xfb: {  	[sflag:s8] =	ssyncadd.s32 $0xFFFF8000  }
0xfc: {  	_ =	swait.ge [sflag:s9], $0x8000  }
0xfd: {  	[sflag:s9] =	ssyncset.done $0x0  }
0xfe: {  	[sflag:s9] =	ssyncadd.s32 $0xFFFF8000  }
0xff: {  	_ =	sfence.sel $0x180000  }
0x100: {  	[bflag:$0x0] =	sbarrier.arrive $0xFFFF  }
0x101: {  	_ =	strace $0x9000004A  }
0x102: {  	s0 =	sadd.s32 @!p0 $0x100000, s30;
	[bflag:$0x2] =	sbarrier.arrive $0xFFFF  }
0x103: {  	[sflag:s0] =	ssyncadd.tile.s32 @!p0 $0x1;
	_ =	shalt  }
.LBB2_2:
.Ltmp3:
0x104: {  	(pc) =	sbr.rel .LBB2_5-.Ltmp3, $2  }
0x105: {  	_ =	sdelay $0x2  }
0x106: {  	s30 =	rddreg [dreg:$0x8]  }
.Lfunc_end2:
_tile_overlayer_lowered:
.L_overlay_start_2:
0x107: {  	(tag) =	ssettag $0x2  }
0x108: {  	s0 =	rddreg [dreg:$0x0];
	s2 =	stileid.u32  }
0x109: {  	s1 =	rddreg [dreg:$0x1];
	p0 =	sne.s32 s2, $0x0  }
0x10a: {  	s3 =	rddreg [dreg:$0x2];
	[bflag:$0x3] =	sbarrier.arrive $0xFFFF;
	s2 =	simm.s32 @!p0 $0x1C05  }
0x10b: {  	[timem:s3], [sflag:s2] =	dma.local @!p0 [hbm:s0], s1  }
0x10c: {  	s0 =	simm.s32 @!p0 $0x5  }
0x10d: {  	_ =	swait.ge @!p0 [sflag:s0], s1  }
0x10e: {  	s1 =	ssub.s32 @!p0 $0x0, s1;
	[sflag:s0] =	ssyncset.done @!p0 $0x0  }
0x10f: {  	[sflag:s0] =	ssyncadd.s32 @!p0 s1  }
0x110: {  	[bflag:$0x3] =	sbarrier.arrive $0xFFFF  }
0x111: {  	_ =	shalt  }

// kernel: kernel.9.cloned.1.call-start
scs
__scs_entry_jumppad:
0x0: {  	(pc) =	sbr.rel $0x88, $3  }
0x1: {  	(tag) =	ssettag $0x0;
	lr =	simm.s32 $0x1  }
0x2: {  	[smem:$0x3F9A] =	sst lr;
	_ =	strace $0xD0000000  }
0x3: {  	_ = 	snop  }
0x4: {  	_ = 	snop  }
0x5: {  	_ = 	snop  }
0x6: {  	_ = 	snop  }
0x7: {  	_ = 	snop  }
__scs_overlays_trampoline_lowered:
0x8: {  	[smem:$0x3FA9] =	sst s0  }
0x9: {  	[smem:$0x3FAA] =	sst s1  }
0xa: {  	[smem:$0x3FAB] =	sst s2  }
0xb: {  	[smem:$0x3FAC] =	sst s3  }
0xc: {  	[smem:$0x3FAD] =	sst s4  }
0xd: {  	[smem:$0x3FAE] =	sst s5  }
0xe: {  	[smem:$0x3FAF] =	sst s6  }
0xf: {  	[smem:$0x3FB0] =	sst s7  }
0x10: {  	[smem:$0x3FB1] =	sst s8  }
0x11: {  	[smem:$0x3FB2] =	sst s9;
	s0 =	simm.s32 @!p0 $0x0  }
0x12: {  	s1 =	sld [smem:$0x3F98];
	s0 =	simm.s32 @p0 $0x1  }
0x13: {  	[smem:$0x3FB3] =	sst s0;
	s0 =	simm.s32 @!p1 $0x0  }
0x14: {  	s2 =	sld [smem:$0x3F97];
	s0 =	simm.s32 @p1 $0x1  }
0x15: {  	[smem:$0x3FB4] =	sst s0;
	s0 =	simm.s32 @!p2 $0x0  }
0x16: {  	s3 =	sld [smem:$0x3FDB];
	s0 =	simm.s32 @p2 $0x1  }
0x17: {  	s4 =	simm.s32 $0x1BF5;
	[smem:$0x3FB6] =	sst s0  }
0x18: {  	s0 =	sld [smem:$0x3F99];
	_ =	swait.ge [sflag:s4], $0x0  }
0x19: {  	s7 =	sld [smem:$0x3F9A]  }
0x1a: {  	s8 =	sadd.s32 $0xFFFFE003, lr  }
0x1b: {  	s9 =	sadd.s32 $0xFFFFFEF7, lr;
	s5 =	simm.s32 $0xFFFFFFFF;
	p2 =	slt.u32 s8, $0xFFFFF086  }
0x1c: {  	p1 =	slt.u32 s9, $0xF7A;
	s5 =	simm.s32 @!p2 $0x0  }
0x1d: {  	s5 =	simm.s32 @p1 $0x1;
	p0 =	seq.s32 s7, s2  }
0x1e: {  	s7 =	smul.u32 @!p0 $0xF7A, s2;
	p2 =	seq.s32 @!p0 s5, $0x0  }
0x1f: {  	s9 =	smul.u32 $0xF7A, s1;
	s8 =	simm.s32 @!p0 $0x1BF5;
	p2 =	por !p2, p0  }
0x20: {  	[sflag:s8] =	ssyncset.s32 @!p0 $0xFFFFF086;
	s6 =	sadd.s32 @!p0 s3, s7;
	s7 =	simm.s32 @!p0 $0x108  }
0x21: {  	s3 =	sadd.s32 s3, s9;
	s6 =	sadd.s32 @!p0 $0x88, s6;
	s7 =	simm.s32 @p2 $0x1082  }
0x22: {  	[simem:s7], [sflag:s8] =	dma.local @!p0 [hbm:s6], $0xF7A  }
0x23: {  	s9 =	sor.u32 $0xD0000000, s2;
	s6 =	simm.s32 $0x108;
	_ =	swait.ge @!p0 [sflag:s8], $0x0  }
0x24: {  	s3 =	sadd.s32 $0x88, s3;
	s6 =	simm.s32 @!p1 $0x1082;
	[sflag:s4] =	ssyncset.s32 $0xFFFFF086  }
0x25: {  	[simem:s6], [sflag:s4] =	dma.local [hbm:s3], $0xF7A  }
0x26: {  	[smem:$0x3F9A] =	sst s1;
	(tag) =	ssettag s2;
	_ =	strace s9  }
0x27: {  	s1 =	sld [smem:$0x3FAA]  }
0x28: {  	s2 =	sld [smem:$0x3FAB]  }
0x29: {  	s4 =	sld [smem:$0x3FAD]  }
0x2a: {  	p0 =	seq.s32 s5, $0x0;
	s5 =	sld [smem:$0x3FAE]  }
0x2b: {  	s6 =	sld [smem:$0x3FAF]  }
0x2c: {  	s7 =	sld [smem:$0x3FB0]  }
0x2d: {  	s3 =	simm.s32 $0x108;
	s8 =	sld [smem:$0x3FB1]  }
0x2e: {  	s3 =	simm.s32 @!p0 $0x1082;
	s9 =	sld [smem:$0x3FB2]  }
0x2f: {  	lr =	sadd.s32 s0, s3;
	s0 =	sld [smem:$0x3FA9]  }
0x30: {  	s3 =	sld [smem:$0x3FAC]  }
0x31: {  	[smem:$0x3FB5] =	sst s10  }
0x32: {  	s10 =	sld [smem:$0x3FB3];
	_ =	sdelay $0x3  }
0x33: {  	p0 =	seq.s32 s10, $0x1;
	s10 =	sld [smem:$0x3FB5];
	_ =	sdelay $0x3  }
0x34: {  	[smem:$0x3FB5] =	sst s10  }
0x35: {  	s10 =	sld [smem:$0x3FB4];
	_ =	sdelay $0x3  }
0x36: {  	p1 =	seq.s32 s10, $0x1;
	s10 =	sld [smem:$0x3FB5];
	_ =	sdelay $0x3  }
0x37: {  	[smem:$0x3FB5] =	sst s10  }
0x38: {  	s10 =	sld [smem:$0x3FB6]  }
0x39: {  	_ = 	snop;
	(pc) =	sbr.ind lr, $3  }
0x3a: {  	_ = 	snop  }
0x3b: {  	_ = 	snop  }
0x3c: {  	p2 =	seq.s32 s10, $0x1;
	s10 =	sld [smem:$0x3FB5]  }
0x3d: {  	_ =	shalt  }
0x3e: {  	_ =	shalt  }
0x3f: {  	_ =	shalt  }
0x40: {  	_ =	shalt  }
0x41: {  	_ =	shalt  }
0x42: {  	_ =	shalt  }
0x43: {  	_ =	shalt  }
0x44: {  	_ =	shalt  }
0x45: {  	_ =	shalt  }
0x46: {  	_ =	shalt  }
0x47: {  	_ =	shalt  }
0x48: {  	_ =	shalt  }
0x49: {  	_ =	shalt  }
0x4a: {  	_ =	shalt  }
0x4b: {  	_ =	shalt  }
0x4c: {  	_ =	shalt  }
0x4d: {  	_ =	shalt  }
0x4e: {  	_ =	shalt  }
0x4f: {  	_ =	shalt  }
0x50: {  	_ =	shalt  }
0x51: {  	_ =	shalt  }
0x52: {  	_ =	shalt  }
0x53: {  	_ =	shalt  }
0x54: {  	_ =	shalt  }
0x55: {  	_ =	shalt  }
0x56: {  	_ =	shalt  }
0x57: {  	_ =	shalt  }
0x58: {  	_ =	shalt  }
0x59: {  	_ =	shalt  }
0x5a: {  	_ =	shalt  }
0x5b: {  	_ =	shalt  }
0x5c: {  	_ =	shalt  }
0x5d: {  	_ =	shalt  }
0x5e: {  	_ =	shalt  }
0x5f: {  	_ =	shalt  }
0x60: {  	_ =	shalt  }
0x61: {  	_ =	shalt  }
0x62: {  	_ =	shalt  }
0x63: {  	_ =	shalt  }
0x64: {  	_ =	shalt  }
0x65: {  	_ =	shalt  }
0x66: {  	_ =	shalt  }
0x67: {  	_ =	shalt  }
0x68: {  	_ =	shalt  }
0x69: {  	_ =	shalt  }
0x6a: {  	_ =	shalt  }
0x6b: {  	_ =	shalt  }
0x6c: {  	_ =	shalt  }
0x6d: {  	_ =	shalt  }
0x6e: {  	_ =	shalt  }
0x6f: {  	_ =	shalt  }
0x70: {  	_ =	shalt  }
0x71: {  	_ =	shalt  }
0x72: {  	_ =	shalt  }
0x73: {  	_ =	shalt  }
0x74: {  	_ =	shalt  }
0x75: {  	_ =	shalt  }
0x76: {  	_ =	shalt  }
0x77: {  	_ =	shalt  }
0x78: {  	_ =	shalt  }
0x79: {  	_ =	shalt  }
0x7a: {  	_ =	shalt  }
0x7b: {  	_ =	shalt  }
0x7c: {  	_ =	shalt  }
0x7d: {  	_ =	shalt  }
0x7e: {  	_ =	shalt  }
0x7f: {  	_ =	shalt  }
0x80: {  	_ =	shalt  }
0x81: {  	_ =	shalt  }
0x82: {  	_ =	shalt  }
0x83: {  	_ =	shalt  }
0x84: {  	_ =	shalt  }
0x85: {  	_ =	shalt  }
0x86: {  	_ =	shalt  }
0x87: {  	_ =	shalt  }
.Lfunc_end0:
.L_simem_size_0:
called_computation.1_lowered:
.L_overlay_start_0:
0x88: {  	s2 =	sld [smem:$0x3FD9]  }
0x89: {  	s3 =	sld [smem:$0x3FFE];
	_ =	sdelay $0x1  }
0x8a: {  	s1 =	srdreg.scid  }
0x8b: {  	s0 =	sand.u32 $0x1, s1  }
0x8c: {  	s17 =	sshll.u32 s0, $0xA;
	s2 =	sadd.s32 s3, s2  }
0x8d: {  	s2 =	sadd.s32 s2, s17  }
0x8e: {  	[smem:$0x3FC1] =	sst s2  }
0x8f: {  	_ = 	snop  }
0x90: {  	s2 =	sld [smem:$0x3FC9]  }
0x91: {  	s18 =	sld [smem:$0x3FC8]  }
0x92: {  	s4 =	sld [smem:$0x3FC7]  }
0x93: {  	s5 =	sld [smem:$0x3FC6]  }
0x94: {  	s6 =	sld [smem:$0x3FC5]  }
0x95: {  	s7 =	sld [smem:$0x3FC4];
	(tm) =	ssettm $0x1  }
0x96: {  	s8 =	sld [smem:$0x3FFB];
	_ =	sdelay $0x3  }
0x97: {  	_ =	strace s8  }
0x98: {  	s8 =	sld [smem:$0x3FFC];
	_ =	sdelay $0x3  }
0x99: {  	_ =	strace s8  }
0x9a: {  	s8 =	sld [smem:$0x3FFD];
	_ =	sdelay $0x3  }
0x9b: {  	_ =	strace s8  }
0x9c: {  	_ =	strace $0x8FFFFFFF  }
0x9d: {  	s19 =	sld [smem:$0x3FDB];
	_ =	sdelay $0x1  }
0x9e: {  	s9 =	simm.s32 $_scs_section_size  }
0x9f: {  	s10 =	simm.s32 $_size__tile_overlayer_lowered;
	s11 =	simm.s32 $_tile_overlayer_lowered  }
0xa0: {  	s22 =	simm.s32 $0x1BFF;
	s21 =	sshll.u32 s11, $0x1;
	s8 =	sadd.s32 s9, s19  }
0xa1: {  	s12 =	simm.s32 $0x0;
	s20 =	sshll.u32 s10, $0x1;
	s10 =	sadd.s32 s21, s8  }
0xa2: {  	[timem:s12], [sflag:s22] =	dma.local [hbm:s10], s20  }
0xa3: {  	_ =	swait.ge [sflag:s22], s20  }
0xa4: {  	s9 =	ssub.s32 $0x0, s20;
	[sflag:s22] =	ssyncset.done $0x0  }
0xa5: {  	[sflag:s22] =	ssyncadd.s32 s9;
	_ =	sdelay $0x1  }
0xa6: {  	s23 =	simm.s32 $0x1B8B  }
0xa7: {  	_ =	swait.ge [sflag:s23], $0x1  }
0xa8: {  	[sflag:s23] =	ssyncset.done $0x0  }
0xa9: {  	s25 =	simm.s32 $0x1B8E;
	s24 =	sld [smem:$0x3FFE];
	[sflag:s23] =	ssyncadd.s32 $0xFFFFFFFF  }
0xaa: {  	s26 =	simm.s32 $execute0_lowered;
	[smem:$0x3FD2] =	sst s25  }
0xab: {  	s10 =	sshll.u32 s26, $0x1;
	_ =	strace $0x80000046;
	[dreg:$0x1] =	wrdreg $0xFFFFFFFF  }
0xac: {  	s28 =	simm.s32 $_size_execute0_lowered;
	s8 =	sadd.s32 s8, s10;
	[dreg:$0x0] =	wrdreg $0x0  }
0xad: {  	s10 =	sshll.u32 s28, $0x1;
	[dreg:$0x2] =	wrdreg s8  }
0xae: {  	[dreg:$0x3] =	wrdreg s10  }
0xaf: {  	[dreg:$0x4] =	wrdreg $0xC0  }
0xb0: {  	_ =	task [dreg:s12], $0x5FFFF  }
0xb1: {  	[dreg:$0x1] =	wrdreg $0xFFFFFFFF  }
0xb2: {  	[dreg:$0x0] =	wrdreg $0x60  }
0xb3: {  	[dreg:$0x2] =	wrdreg s2  }
0xb4: {  	[dreg:$0x3] =	wrdreg s4  }
0xb5: {  	[dreg:$0x4] =	wrdreg s5  }
0xb6: {  	[dreg:$0x5] =	wrdreg s18  }
0xb7: {  	[dreg:$0x6] =	wrdreg s6  }
0xb8: {  	[dreg:$0x7] =	wrdreg s7  }
0xb9: {  	[dreg:$0x8] =	wrdreg s24  }
0xba: {  	[dreg:$0x9] =	wrdreg $0x104000  }
0xbb: {  	[dreg:$0xa] =	wrdreg $0xA  }
0xbc: {  	_ =	task.clear_ibuf [dreg:s12], $0xBFFFF;
	_ =	strace $0x90000046  }
0xbd: {  	s29 =	simm.s32 $0xA;
	_ =	strace $0x80000048  }
0xbe: {  	_ =	swait.ge [sflag:s29], $0x1  }
0xbf: {  	[sflag:s29] =	ssyncadd.s32 $0xFFFFFFFF  }
0xc0: {  	_ =	strace $0x90000048  }
0xc1: {  	_ =	sfence  }
0xc2: {  	s30 =	sld [smem:$0x0];
	_ =	sdelay $0x2  }
0xc3: {  	s31 =	sshll.u32 s1, $0xD;
	s1 =	sshrl.u32 s1, $0x2  }
0xc4: {  	s3 =	sand.u32 $0x4000, s31;
	s1 =	sadd.s32 s1, s30  }
0xc5: {  	s0 =	sor.u32 s3, s0;
	s1 =	sshll.u32 s1, $0x11  }
0xc6: {  	s0 =	sor.u32 s1, s0  }
0xc7: {  	s0 =	sadd.s32 $0x8F2B, s0  }
0xc8: {  	[sflag:s0] =	ssyncadd.remote.s32 $0x1  }
0xc9: {  	_ =	sfence.sel $0xFFFF  }
0xca: {  	[dreg:$0x0] =	wrdreg $0xFFFFFFFF;
	(pc) =	sbr.abs _section_cstart, $3  }
0xcb: {  	[dreg:$0x1] =	wrdreg $0xFFFFFFFF  }
0xcc: {  	_ =	task.clear_ibuf [dreg:s12], $0x2FFFF;
	_ =	strace $0x9FFFFFFF  }
0xcd: {  	(tm) =	ssettm $0x7FFFFFFF  }
tec
execute0_lowered:
.L_overlay_start_1:
0x0: {  	(tag) =	ssettag $0x1  }
0x1: {  	s0 =	rddreg [dreg:$0x0]  }
0x2: {  	s4 =	rddreg [dreg:$0x1]  }
0x3: {  	s5 =	rddreg [dreg:$0x2]  }
0x4: {  	s6 =	rddreg [dreg:$0x3]  }
0x5: {  	s3 =	rddreg [dreg:$0x4]  }
0x6: {  	s1 =	rddreg [dreg:$0x5]  }
0x7: {  	s7 =	rddreg [dreg:$0x6]  }
0x8: {  	s2 =	rddreg [dreg:$0x7]  }
0x9: {  	s30 =	rddreg [dreg:$0x8]  }
0xa: {  	s8 =	srdreg.scid;
	s9 =	stileid.u32  }
0xb: {  	s24 =	simm.s32 $0x5;
	s19 =	simm.s32 $0x100;
	s16 =	simm.s32 $0x200  }
0xc: {  	s18 =	simm.s32 $0x4400;
	s23 =	simm.s32 $0x180;
	s14 =	simm.s32 $0xC400  }
0xd: {  	p1 =	por $0x0, $0x0;
	s20 =	simm.s32 $0x280;
	s15 =	simm.s32 $0x380  }
0xe: {  	[dreg:$0x9] =	wrdreg s1;
	s8 =	sand.u32 $0x1, s8;
	s10 =	sshll.u32 s9, $0x1  }
0xf: {  	s1 =	simm.s32 $0x0;
	s10 =	sor.u32 s8, s10;
	s8 =	ssub.s32 $0x2, s8  }
0x10: {  	p0 =	sne.s32 s9, $0x0;
	s9 =	simm.s32 $0x3;
	s12 =	sshrl.u32 s8, $0x1  }
0x11: {  	[smem:$0x7FF] =	sst s1;
	s28 =	sshrl.u32 @!p0 s2, $0x3;
	s8 =	ssub.s32 s8, s12  }
0x12: {  	_ =	strace $0x80000047;
	s11 =	sshll.u32 s10, $0xC;
	s29 =	smax.u32 s8, $0x1  }
0x13: {  	s10 =	sshll.u32 s10, $0x5;
	s7 =	sadd.s32 s11, s7;
	s31 =	sadd.s32 $0xFFFFFFFF, s29  }
0x14: {  	s10 =	sor.u32 $0x400, s10;
	s11 =	simm.s32 $0x80;
	p2 =	sne.s32 s31, $0x0  }
.Ltmp0:
0x15: {  	s12 =	simm.s32 $0x400;
	s26 =	sadd.s32 s0, s10;
	(pc) =	sbr.rel @!p2 .LBB2_5-.Ltmp0, $4  }
0x16: {  	s25 =	sadd.s32 s4, s10;
	s22 =	sadd.s32 s5, s10;
	s21 =	sadd.s32 s6, s10  }
0x17: {  	s17 =	sadd.s32 $0x2400, s7;
	s13 =	sadd.s32 $0x22400, s7;
	s5 =	sadd.s32 $0x42400, s7  }
0x18: {  	s4 =	sadd.s32 $0x62400, s7;
	s10 =	simm.s32 $0x300;
	s6 =	simm.s32 $0x1  }
0x19: {  	s7 =	simm.s32 $0x8400;
	s8 =	simm.s32 $0x2;
	s0 =	rddreg [dreg:$0x9]  }
0x1a: {  	s29 =	simm.s32 @!p0 $0x1C04  }
0x1b: {  	[spmem:s28], [sflag:s29] =	dma.local @!p0 [hbm:s0], $0x3E80  }
0x1c: {  	[tilespmem:s1], [sflag:$0x5] =	stream.linear.gather [hbm4b:s26+s1], $0x100, $0x38;
	[tilespmem:$0x12340] =	vst v63  }
0x1d: {  	_ =	swait.ge [sflag:s24], $0x100  }
0x1e: {  	[sflag:s24] =	ssyncset.done $0x0  }
0x1f: {  	[sflag:s24] =	ssyncadd.s32 $0xFFFFFF00  }
0x20: {  	[tilespmem:s19], [sflag:$0x5] =	stream.linear.gather [hbm4b:s25+s1], $0x100, $0x38;
	[tilespmem:$0x12340] =	vst v63  }
0x21: {  	_ =	swait.ge [sflag:s24], $0x100  }
0x22: {  	[sflag:s24] =	ssyncset.done $0x0  }
0x23: {  	[sflag:s24] =	ssyncadd.s32 $0xFFFFFF00  }
0x24: {  	[tilespmem:s16], [sflag:$0x5] =	stream.linear.gather [hbm4b:s22+s1], $0x100, $0x38;
	[tilespmem:$0x12340] =	vst v63  }
0x25: {  	_ =	swait.ge [sflag:s24], $0x100  }
0x26: {  	[sflag:s24] =	ssyncset.done $0x0  }
0x27: {  	[sflag:s24] =	ssyncadd.s32 $0xFFFFFF00  }
0x28: {  	[tilespmem:s10], [sflag:$0x5] =	stream.linear.gather [hbm4b:s21+s1], $0x100, $0x38;
	[tilespmem:$0x12340] =	vst v63  }
0x29: {  	_ =	swait.ge [sflag:s24], $0x100  }
0x2a: {  	[sflag:s24] =	ssyncset.done $0x0  }
0x2b: {  	[sflag:s24] =	ssyncadd.s32 $0xFFFFFF00  }
0x2c: {  	[tilespmem:s12], [sflag:$0x1] =	stream.indirect.gather [hbm4b:s3+s11], $0x80, s1, s11, $0xb8;
	[tilespmem:$0x12340] =	vst v63  }
0x2d: {  	_ = 	snop  }
0x2e: {  	[tilespmem:s18], [sflag:$0x1] =	stream.indirect.gather [hbm4b:s3+s11], $0x80, s11, s11, $0xb8;
	[tilespmem:$0x12340] =	vst v63  }
0x2f: {  	_ =	swait.ge [sflag:s6], $0x4000  }
0x30: {  	[sflag:s6] =	ssyncset.done $0x0  }
0x31: {  	[sflag:s6] =	ssyncadd.s32 $0xFFFFC000  }
0x32: {  	_ =	swait.ge [sflag:s6], $0x4000  }
0x33: {  	[sflag:s6] =	ssyncset.done $0x0  }
0x34: {  	[sflag:s6] =	ssyncadd.s32 $0xFFFFC000  }
0x35: {  	[tilespmem:s7], [sflag:$0x1] =	stream.indirect.gather [hbm4b:s3+s11], $0x80, s19, s11, $0xb8;
	[tilespmem:$0x12340] =	vst v63  }
0x36: {  	_ = 	snop  }
0x37: {  	[tilespmem:s14], [sflag:$0x1] =	stream.indirect.gather [hbm4b:s3+s11], $0x80, s23, s11, $0xb8;
	[tilespmem:$0x12340] =	vst v63  }
0x38: {  	_ = 	snop  }
0x39: {  	[hbm4b:s17+s1] =	stream.linear.scatter [tilespmem:s12], [sflag:$0x2], $0x8000, $0x38;
	[tilespmem:$0x12340] =	vst v63  }
0x3a: {  	_ =	swait.ge [sflag:s6], $0x4000  }
0x3b: {  	[sflag:s6] =	ssyncset.done $0x0  }
0x3c: {  	[sflag:s6] =	ssyncadd.s32 $0xFFFFC000  }
0x3d: {  	_ =	swait.ge [sflag:s6], $0x4000  }
0x3e: {  	[sflag:s6] =	ssyncset.done $0x0  }
0x3f: {  	[sflag:s6] =	ssyncadd.s32 $0xFFFFC000  }
0x40: {  	_ =	swait.ge [sflag:s8], $0x8000  }
0x41: {  	[sflag:s8] =	ssyncset.done $0x0  }
0x42: {  	[sflag:s8] =	ssyncadd.s32 $0xFFFF8000  }
0x43: {  	[tilespmem:s12], [sflag:$0x1] =	stream.indirect.gather [hbm4b:s3+s11], $0x80, s16, s11, $0xb8;
	[tilespmem:$0x12340] =	vst v63  }
0x44: {  	_ = 	snop  }
0x45: {  	[tilespmem:s18], [sflag:$0x1] =	stream.indirect.gather [hbm4b:s3+s11], $0x80, s20, s11, $0xb8;
	[tilespmem:$0x12340] =	vst v63  }
0x46: {  	_ = 	snop  }
0x47: {  	[hbm4b:s13+s1] =	stream.linear.scatter [tilespmem:s7], [sflag:$0x3], $0x8000, $0x38;
	[tilespmem:$0x12340] =	vst v63  }
0x48: {  	_ =	swait.ge [sflag:s6], $0x4000  }
0x49: {  	[sflag:s6] =	ssyncset.done $0x0  }
0x4a: {  	[sflag:s6] =	ssyncadd.s32 $0xFFFFC000  }
0x4b: {  	_ =	swait.ge [sflag:s6], $0x4000  }
0x4c: {  	[sflag:s6] =	ssyncset.done $0x0  }
0x4d: {  	s30 =	simm.s32 @!p0 $0x4;
	[sflag:s6] =	ssyncadd.s32 $0xFFFFC000  }
0x4e: {  	_ =	swait.ge @!p0 [sflag:s30], $0x3E80  }
0x4f: {  	[sflag:s30] =	ssyncset.done @!p0 $0x0  }
0x50: {  	[sflag:s30] =	ssyncadd.s32 @!p0 $0xFFFFC180  }
0x51: {  	[bflag:$0x0] =	sbarrier.arrive $0xFFFF  }
0x52: {  	_ =	swait.ge [sflag:s9], $0x8000  }
0x53: {  	[sflag:s9] =	ssyncset.done $0x0  }
0x54: {  	[sflag:s9] =	ssyncadd.s32 $0xFFFF8000  }
0x55: {  	[tilespmem:s7], [sflag:$0x1] =	stream.indirect.gather [spmem:s2], $0x80, s10, s11, $0xb8;
	[tilespmem:$0x12340] =	vst v63  }
0x56: {  	_ = 	snop  }
0x57: {  	[tilespmem:s14], [sflag:$0x1] =	stream.indirect.gather [spmem:s2], $0x80, s15, s11, $0xb8;
	[tilespmem:$0x12340] =	vst v63  }
0x58: {  	_ = 	snop  }
0x59: {  	[hbm4b:s5+s1] =	stream.linear.scatter [tilespmem:s12], [sflag:$0x2], $0x8000, $0x38;
	[tilespmem:$0x12340] =	vst v63  }
0x5a: {  	_ =	swait.ge [sflag:s6], $0x4000  }
0x5b: {  	[sflag:s6] =	ssyncset.done $0x0  }
0x5c: {  	[sflag:s6] =	ssyncadd.s32 $0xFFFFC000  }
0x5d: {  	_ =	swait.ge [sflag:s6], $0x4000  }
0x5e: {  	s31 =	sadd.s32 $0xFFFFFFFF, s31;
	[sflag:s6] =	ssyncset.done $0x0  }
0x5f: {  	p2 =	sne.s32 s31, $0x0;
	[sflag:s6] =	ssyncadd.s32 $0xFFFFC000  }
0x60: {  	[hbm4b:s4+s1] =	stream.linear.scatter [tilespmem:s7], [sflag:$0x3], $0x8000, $0x38;
	[tilespmem:$0x12340] =	vst v63  }
.Ltmp1:
0x61: {  	_ =	swait.ge [sflag:s8], $0x8000;
	(pc) =	sbr.rel @!p2 .LBB2_2-.Ltmp1, $4  }
0x62: {  	[sflag:s8] =	ssyncset.done $0x0  }
0x63: {  	[sflag:s8] =	ssyncadd.s32 $0xFFFF8000  }
0x64: {  	_ =	swait.ge [sflag:s9], $0x8000  }
0x65: {  	p1 =	por $0x1, $0x1;
	s0 =	rddreg [dreg:$0x9];
	[sflag:s9] =	ssyncset.done $0x0  }
.LBB2_3:
0x66: {  	[sflag:s9] =	ssyncadd.s32 $0xFFFF8000  }
0x67: {  	[spmem:s28], [sflag:s29] =	dma.local @!p0 [hbm:s0], $0x3E80  }
0x68: {  	[tilespmem:s1], [sflag:$0x5] =	stream.linear.gather [hbm4b:s26+s1], $0x100, $0x38;
	[tilespmem:$0x12340] =	vst v63  }
0x69: {  	_ =	swait.ge [sflag:s24], $0x100  }
0x6a: {  	[sflag:s24] =	ssyncset.done $0x0  }
0x6b: {  	[sflag:s24] =	ssyncadd.s32 $0xFFFFFF00  }
0x6c: {  	[tilespmem:s19], [sflag:$0x5] =	stream.linear.gather [hbm4b:s25+s1], $0x100, $0x38;
	[tilespmem:$0x12340] =	vst v63  }
0x6d: {  	_ =	swait.ge [sflag:s24], $0x100  }
0x6e: {  	[sflag:s24] =	ssyncset.done $0x0  }
0x6f: {  	[sflag:s24] =	ssyncadd.s32 $0xFFFFFF00  }
0x70: {  	[tilespmem:s16], [sflag:$0x5] =	stream.linear.gather [hbm4b:s22+s1], $0x100, $0x38;
	[tilespmem:$0x12340] =	vst v63  }
0x71: {  	_ =	swait.ge [sflag:s24], $0x100  }
0x72: {  	[sflag:s24] =	ssyncset.done $0x0  }
0x73: {  	[sflag:s24] =	ssyncadd.s32 $0xFFFFFF00  }
0x74: {  	[tilespmem:s10], [sflag:$0x5] =	stream.linear.gather [hbm4b:s21+s1], $0x100, $0x38;
	[tilespmem:$0x12340] =	vst v63  }
0x75: {  	_ =	swait.ge [sflag:s24], $0x100  }
0x76: {  	[sflag:s24] =	ssyncset.done $0x0  }
0x77: {  	[sflag:s24] =	ssyncadd.s32 $0xFFFFFF00  }
0x78: {  	[tilespmem:s12], [sflag:$0x1] =	stream.indirect.gather [hbm4b:s3+s11], $0x80, s1, s11, $0xb8;
	[tilespmem:$0x12340] =	vst v63  }
0x79: {  	_ = 	snop  }
0x7a: {  	[tilespmem:s18], [sflag:$0x1] =	stream.indirect.gather [hbm4b:s3+s11], $0x80, s11, s11, $0xb8;
	[tilespmem:$0x12340] =	vst v63  }
0x7b: {  	_ =	swait.ge [sflag:s6], $0x4000  }
0x7c: {  	[sflag:s6] =	ssyncset.done $0x0  }
0x7d: {  	[sflag:s6] =	ssyncadd.s32 $0xFFFFC000  }
0x7e: {  	_ =	swait.ge [sflag:s6], $0x4000  }
0x7f: {  	[sflag:s6] =	ssyncset.done $0x0  }
0x80: {  	[sflag:s6] =	ssyncadd.s32 $0xFFFFC000  }
0x81: {  	[tilespmem:s7], [sflag:$0x1] =	stream.indirect.gather [hbm4b:s3+s11], $0x80, s19, s11, $0xb8;
	[tilespmem:$0x12340] =	vst v63  }
0x82: {  	_ = 	snop  }
0x83: {  	[tilespmem:s14], [sflag:$0x1] =	stream.indirect.gather [hbm4b:s3+s11], $0x80, s23, s11, $0xb8;
	[tilespmem:$0x12340] =	vst v63  }
0x84: {  	_ = 	snop  }
0x85: {  	[hbm4b:s17+s1] =	stream.linear.scatter [tilespmem:s12], [sflag:$0x2], $0x8000, $0x38;
	[tilespmem:$0x12340] =	vst v63  }
0x86: {  	_ =	swait.ge [sflag:s6], $0x4000  }
0x87: {  	[sflag:s6] =	ssyncset.done $0x0  }
0x88: {  	[sflag:s6] =	ssyncadd.s32 $0xFFFFC000  }
0x89: {  	_ =	swait.ge [sflag:s6], $0x4000  }
0x8a: {  	[sflag:s6] =	ssyncset.done $0x0  }
0x8b: {  	[sflag:s6] =	ssyncadd.s32 $0xFFFFC000  }
0x8c: {  	_ =	swait.ge [sflag:s8], $0x8000  }
0x8d: {  	[sflag:s8] =	ssyncset.done $0x0  }
0x8e: {  	[sflag:s8] =	ssyncadd.s32 $0xFFFF8000  }
0x8f: {  	[tilespmem:s12], [sflag:$0x1] =	stream.indirect.gather [hbm4b:s3+s11], $0x80, s16, s11, $0xb8;
	[tilespmem:$0x12340] =	vst v63  }
0x90: {  	_ = 	snop  }
0x91: {  	[tilespmem:s18], [sflag:$0x1] =	stream.indirect.gather [hbm4b:s3+s11], $0x80, s20, s11, $0xb8;
	[tilespmem:$0x12340] =	vst v63  }
0x92: {  	_ = 	snop  }
0x93: {  	[hbm4b:s13+s1] =	stream.linear.scatter [tilespmem:s7], [sflag:$0x3], $0x8000, $0x38;
	[tilespmem:$0x12340] =	vst v63  }
0x94: {  	_ =	swait.ge [sflag:s6], $0x4000  }
0x95: {  	[sflag:s6] =	ssyncset.done $0x0  }
0x96: {  	[sflag:s6] =	ssyncadd.s32 $0xFFFFC000  }
0x97: {  	_ =	swait.ge [sflag:s6], $0x4000  }
0x98: {  	[sflag:s6] =	ssyncset.done $0x0  }
0x99: {  	[sflag:s6] =	ssyncadd.s32 $0xFFFFC000  }
0x9a: {  	_ =	swait.ge @!p0 [sflag:s30], $0x3E80  }
0x9b: {  	[sflag:s30] =	ssyncset.done @!p0 $0x0  }
0x9c: {  	[sflag:s30] =	ssyncadd.s32 @!p0 $0xFFFFC180  }
0x9d: {  	[bflag:$0x0] =	sbarrier.arrive $0xFFFF  }
0x9e: {  	_ =	swait.ge [sflag:s9], $0x8000  }
0x9f: {  	[sflag:s9] =	ssyncset.done $0x0  }
0xa0: {  	[sflag:s9] =	ssyncadd.s32 $0xFFFF8000  }
0xa1: {  	[tilespmem:s7], [sflag:$0x1] =	stream.indirect.gather [spmem:s2], $0x80, s10, s11, $0xb8;
	[tilespmem:$0x12340] =	vst v63  }
0xa2: {  	_ = 	snop  }
0xa3: {  	[tilespmem:s14], [sflag:$0x1] =	stream.indirect.gather [spmem:s2], $0x80, s15, s11, $0xb8;
	[tilespmem:$0x12340] =	vst v63  }
0xa4: {  	_ = 	snop  }
0xa5: {  	[hbm4b:s5+s1] =	stream.linear.scatter [tilespmem:s12], [sflag:$0x2], $0x8000, $0x38;
	[tilespmem:$0x12340] =	vst v63  }
0xa6: {  	_ =	swait.ge [sflag:s6], $0x4000  }
0xa7: {  	[sflag:s6] =	ssyncset.done $0x0  }
0xa8: {  	[sflag:s6] =	ssyncadd.s32 $0xFFFFC000  }
0xa9: {  	_ =	swait.ge [sflag:s6], $0x4000  }
0xaa: {  	s31 =	sadd.s32 $0xFFFFFFFF, s31;
	[sflag:s6] =	ssyncset.done $0x0  }
0xab: {  	p2 =	sne.s32 s31, $0x0;
	[sflag:s6] =	ssyncadd.s32 $0xFFFFC000  }
0xac: {  	[hbm4b:s4+s1] =	stream.linear.scatter [tilespmem:s7], [sflag:$0x3], $0x8000, $0x38;
	[tilespmem:$0x12340] =	vst v63  }
.Ltmp2:
0xad: {  	_ =	swait.ge [sflag:s8], $0x8000;
	(pc) =	sbr.rel @p2 .LBB2_3-.Ltmp2, $4  }
0xae: {  	[sflag:s8] =	ssyncset.done $0x0  }
0xaf: {  	[sflag:s8] =	ssyncadd.s32 $0xFFFF8000  }
0xb0: {  	_ =	swait.ge [sflag:s9], $0x8000  }
0xb1: {  	s0 =	rddreg [dreg:$0x9];
	[sflag:s9] =	ssyncset.done $0x0  }
0xb2: {  	s30 =	rddreg [dreg:$0x8]  }
.LBB2_5:
0xb3: {  	[sflag:s9] =	ssyncadd.s32 @p1 $0xFFFF8000;
	s29 =	simm.s32 @!p0 $0x1C04  }
0xb4: {  	[spmem:s28], [sflag:s29] =	dma.local @!p0 [hbm:s0], $0x3E80  }
0xb5: {  	[tilespmem:s1], [sflag:$0x5] =	stream.linear.gather [hbm4b:s26+s1], $0x100, $0x38;
	[tilespmem:$0x12340] =	vst v63  }
0xb6: {  	_ =	swait.ge [sflag:s24], $0x100  }
0xb7: {  	[sflag:s24] =	ssyncset.done $0x0  }
0xb8: {  	[sflag:s24] =	ssyncadd.s32 $0xFFFFFF00  }
0xb9: {  	[tilespmem:s19], [sflag:$0x5] =	stream.linear.gather [hbm4b:s25+s1], $0x100, $0x38;
	[tilespmem:$0x12340] =	vst v63  }
0xba: {  	_ =	swait.ge [sflag:s24], $0x100  }
0xbb: {  	[sflag:s24] =	ssyncset.done $0x0  }
0xbc: {  	[sflag:s24] =	ssyncadd.s32 $0xFFFFFF00  }
0xbd: {  	[tilespmem:s16], [sflag:$0x5] =	stream.linear.gather [hbm4b:s22+s1], $0x100, $0x38;
	[tilespmem:$0x12340] =	vst v63  }
0xbe: {  	_ =	swait.ge [sflag:s24], $0x100  }
0xbf: {  	[sflag:s24] =	ssyncset.done $0x0  }
0xc0: {  	[sflag:s24] =	ssyncadd.s32 $0xFFFFFF00  }
0xc1: {  	[tilespmem:s10], [sflag:$0x5] =	stream.linear.gather [hbm4b:s21+s1], $0x100, $0x38;
	[tilespmem:$0x12340] =	vst v63  }
0xc2: {  	_ =	swait.ge [sflag:s24], $0x100  }
0xc3: {  	[sflag:s24] =	ssyncset.done $0x0  }
0xc4: {  	[sflag:s24] =	ssyncadd.s32 $0xFFFFFF00  }
0xc5: {  	[tilespmem:s12], [sflag:$0x1] =	stream.indirect.gather [hbm4b:s3+s11], $0x80, s1, s11, $0xb8;
	[tilespmem:$0x12340] =	vst v63  }
0xc6: {  	_ = 	snop  }
0xc7: {  	[tilespmem:s18], [sflag:$0x1] =	stream.indirect.gather [hbm4b:s3+s11], $0x80, s11, s11, $0xb8;
	[tilespmem:$0x12340] =	vst v63  }
0xc8: {  	_ =	swait.ge [sflag:s6], $0x4000  }
0xc9: {  	[sflag:s6] =	ssyncset.done $0x0  }
0xca: {  	[sflag:s6] =	ssyncadd.s32 $0xFFFFC000  }
0xcb: {  	_ =	swait.ge [sflag:s6], $0x4000  }
0xcc: {  	[sflag:s6] =	ssyncset.done $0x0  }
0xcd: {  	[sflag:s6] =	ssyncadd.s32 $0xFFFFC000  }
0xce: {  	[tilespmem:s7], [sflag:$0x1] =	stream.indirect.gather [hbm4b:s3+s11], $0x80, s19, s11, $0xb8;
	[tilespmem:$0x12340] =	vst v63  }
0xcf: {  	_ = 	snop  }
0xd0: {  	[tilespmem:s14], [sflag:$0x1] =	stream.indirect.gather [hbm4b:s3+s11], $0x80, s23, s11, $0xb8;
	[tilespmem:$0x12340] =	vst v63  }
0xd1: {  	_ = 	snop  }
0xd2: {  	[hbm4b:s17+s1] =	stream.linear.scatter [tilespmem:s12], [sflag:$0x2], $0x8000, $0x38;
	[tilespmem:$0x12340] =	vst v63  }
0xd3: {  	_ =	swait.ge [sflag:s6], $0x4000  }
0xd4: {  	[sflag:s6] =	ssyncset.done $0x0  }
0xd5: {  	[sflag:s6] =	ssyncadd.s32 $0xFFFFC000  }
0xd6: {  	_ =	swait.ge [sflag:s6], $0x4000  }
0xd7: {  	[sflag:s6] =	ssyncset.done $0x0  }
0xd8: {  	[sflag:s6] =	ssyncadd.s32 $0xFFFFC000  }
0xd9: {  	_ =	swait.ge [sflag:s8], $0x8000  }
0xda: {  	[sflag:s8] =	ssyncset.done $0x0  }
0xdb: {  	[sflag:s8] =	ssyncadd.s32 $0xFFFF8000  }
0xdc: {  	[tilespmem:s12], [sflag:$0x1] =	stream.indirect.gather [hbm4b:s3+s11], $0x80, s16, s11, $0xb8;
	[tilespmem:$0x12340] =	vst v63  }
0xdd: {  	_ = 	snop  }
0xde: {  	[tilespmem:s18], [sflag:$0x1] =	stream.indirect.gather [hbm4b:s3+s11], $0x80, s20, s11, $0xb8;
	[tilespmem:$0x12340] =	vst v63  }
0xdf: {  	_ = 	snop  }
0xe0: {  	[hbm4b:s13+s1] =	stream.linear.scatter [tilespmem:s7], [sflag:$0x3], $0x8000, $0x38;
	[tilespmem:$0x12340] =	vst v63  }
0xe1: {  	_ =	swait.ge [sflag:s6], $0x4000  }
0xe2: {  	[sflag:s6] =	ssyncset.done $0x0  }
0xe3: {  	[sflag:s6] =	ssyncadd.s32 $0xFFFFC000  }
0xe4: {  	_ =	swait.ge [sflag:s6], $0x4000  }
0xe5: {  	[sflag:s6] =	ssyncset.done $0x0  }
0xe6: {  	s0 =	simm.s32 @!p0 $0x4;
	[sflag:s6] =	ssyncadd.s32 $0xFFFFC000  }
0xe7: {  	_ =	swait.ge @!p0 [sflag:s0], $0x3E80  }
0xe8: {  	[sflag:s0] =	ssyncset.done @!p0 $0x0  }
0xe9: {  	[sflag:s0] =	ssyncadd.s32 @!p0 $0xFFFFC180  }
0xea: {  	[bflag:$0x0] =	sbarrier.arrive $0xFFFF  }
0xeb: {  	_ =	swait.ge [sflag:s9], $0x8000  }
0xec: {  	[sflag:s9] =	ssyncset.done $0x0  }
0xed: {  	[sflag:s9] =	ssyncadd.s32 $0xFFFF8000  }
0xee: {  	[tilespmem:s7], [sflag:$0x1] =	stream.indirect.gather [spmem:s2], $0x80, s10, s11, $0xb8;
	[tilespmem:$0x12340] =	vst v63  }
0xef: {  	_ = 	snop  }
0xf0: {  	[tilespmem:s14], [sflag:$0x1] =	stream.indirect.gather [spmem:s2], $0x80, s15, s11, $0xb8;
	[tilespmem:$0x12340] =	vst v63  }
0xf1: {  	_ = 	snop  }
0xf2: {  	[hbm4b:s5+s1] =	stream.linear.scatter [tilespmem:s12], [sflag:$0x2], $0x8000, $0x38;
	[tilespmem:$0x12340] =	vst v63  }
0xf3: {  	_ =	swait.ge [sflag:s6], $0x4000  }
0xf4: {  	[sflag:s6] =	ssyncset.done $0x0  }
0xf5: {  	[sflag:s6] =	ssyncadd.s32 $0xFFFFC000  }
0xf6: {  	_ =	swait.ge [sflag:s6], $0x4000  }
0xf7: {  	[sflag:s6] =	ssyncset.done $0x0  }
0xf8: {  	[sflag:s6] =	ssyncadd.s32 $0xFFFFC000  }
0xf9: {  	[hbm4b:s4+s1] =	stream.linear.scatter [tilespmem:s7], [sflag:$0x3], $0x8000, $0x38;
	[tilespmem:$0x12340] =	vst v63  }
0xfa: {  	_ =	swait.ge [sflag:s8], $0x8000  }
0xfb: {  	[sflag:s8] =	ssyncset.done $0x0  }
0xfc: {  	[sflag:s8] =	ssyncadd.s32 $0xFFFF8000  }
0xfd: {  	_ =	swait.ge [sflag:s9], $0x8000  }
0xfe: {  	[sflag:s9] =	ssyncset.done $0x0  }
0xff: {  	[sflag:s9] =	ssyncadd.s32 $0xFFFF8000  }
0x100: {  	_ =	sfence.sel $0x180000  }
0x101: {  	[bflag:$0x0] =	sbarrier.arrive $0xFFFF  }
0x102: {  	_ =	strace $0x90000047  }
0x103: {  	s0 =	sadd.s32 @!p0 $0x100000, s30;
	[bflag:$0x2] =	sbarrier.arrive $0xFFFF  }
0x104: {  	[sflag:s0] =	ssyncadd.tile.s32 @!p0 $0x1;
	_ =	shalt  }
.LBB2_2:
.Ltmp3:
0x105: {  	(pc) =	sbr.rel .LBB2_5-.Ltmp3, $2  }
0x106: {  	_ =	sdelay $0x2  }
0x107: {  	s30 =	rddreg [dreg:$0x8]  }
.Lfunc_end2:
_tile_overlayer_lowered:
.L_overlay_start_2:
0x108: {  	(tag) =	ssettag $0x2  }
0x109: {  	s0 =	rddreg [dreg:$0x0];
	s2 =	stileid.u32  }
0x10a: {  	s1 =	rddreg [dreg:$0x1];
	p0 =	sne.s32 s2, $0x0  }
0x10b: {  	s3 =	rddreg [dreg:$0x2];
	[bflag:$0x3] =	sbarrier.arrive $0xFFFF;
	s2 =	simm.s32 @!p0 $0x1C05  }
0x10c: {  	[timem:s3], [sflag:s2] =	dma.local @!p0 [hbm:s0], s1  }
0x10d: {  	s0 =	simm.s32 @!p0 $0x5  }
0x10e: {  	_ =	swait.ge @!p0 [sflag:s0], s1  }
0x10f: {  	s1 =	ssub.s32 @!p0 $0x0, s1;
	[sflag:s0] =	ssyncset.done @!p0 $0x0  }
0x110: {  	[sflag:s0] =	ssyncadd.s32 @!p0 s1  }
0x111: {  	[bflag:$0x3] =	sbarrier.arrive $0xFFFF  }
0x112: {  	_ =	shalt  }

</sc_bundles>
